<compile_context>
chip_gen: v7x
topology: tpu7x:2x2x1
jax: 0.10.2.dev20260603
libtpu: 0.0.44.dev20260713+nightly
codegen_flags: <defaults>
</compile_context>

<pallas_src>
import functools

import jax
import jax.numpy as jnp
from jax import lax
from jax.experimental import pallas as pl
from jax.experimental.pallas import tpu as pltpu
from jax.experimental.pallas import tpu_sc as plsc

B, L, D = 1024, 512, 64
DP = 128
NC, NS = 2, 16
NW = NC * NS
ROWS_PER_W = B // NW
NQ = 4
QL = L // NQ
LANES = 16


def _body(x_hbm, tok_hbm, pos_hbm, out_hbm,
          idx_a, idx_b, bufa, bufb, bufc, pos_v, sem_g, sem_w):
    c = lax.axis_index("c")
    s = lax.axis_index("s")
    wid = s * NC + c
    base = wid * ROWS_PER_W

    pltpu.sync_copy(pos_hbm, pos_v)
    pltpu.sync_copy(x_hbm.at[base], idx_a)

    def compute_quarter(q, buf):
        def per_token(t):
            for k in range(D // LANES):
                sl = pl.ds(k * LANES, LANES)
                buf[t, sl] = buf[t, sl] + pos_v[q * QL + t, sl]

        plsc.parallel_loop(0, QL, 1, unroll=4)(per_token)

    def do_row_with(row, r, idx_v, idx_n):
        def gather(q, buf):
            return pltpu.async_copy(
                tok_hbm.at[idx_v.at[pl.ds(q * QL, QL)]], buf, sem_g
            )

        def store(q, buf):
            return pltpu.async_copy(
                buf, out_hbm.at[row, pl.ds(q * QL, QL)], sem_w
            )

        g0 = gather(0, bufa)
        g1 = gather(1, bufb)
        g2 = gather(2, bufc)

        @pl.when(r + 1 < ROWS_PER_W)
        def _prefetch():
            pltpu.sync_copy(x_hbm.at[row + 1], idx_n)

        g0.wait()
        compute_quarter(0, bufa)
        w0 = store(0, bufa)
        g1.wait()
        compute_quarter(1, bufb)
        w1 = store(1, bufb)
        w0.wait()
        g3 = gather(3, bufa)
        g2.wait()
        compute_quarter(2, bufc)
        w2 = store(2, bufc)
        g3.wait()
        compute_quarter(3, bufa)
        w3 = store(3, bufa)
        w1.wait()
        w2.wait()
        w3.wait()

    def do_row(r, _):
        row = base + r

        @pl.when(r % 2 == 0)
        def _even():
            do_row_with(row, r, idx_a, idx_b)

        @pl.when(r % 2 == 1)
        def _odd():
            do_row_with(row, r, idx_b, idx_a)

        return 0

    lax.fori_loop(0, ROWS_PER_W, do_row, 0)


_emb = functools.partial(
    pl.kernel,
    out_type=jax.ShapeDtypeStruct((B, L, DP), jnp.float32),
    mesh=plsc.VectorSubcoreMesh(core_axis_name="c", subcore_axis_name="s"),
    scratch_types=[
        pltpu.VMEM((L,), jnp.int32),
        pltpu.VMEM((L,), jnp.int32),
        pltpu.VMEM((QL, DP), jnp.float32),
        pltpu.VMEM((QL, DP), jnp.float32),
        pltpu.VMEM((QL, DP), jnp.float32),
        pltpu.VMEM((L, DP), jnp.float32),
        pltpu.SemaphoreType.DMA,
        pltpu.SemaphoreType.DMA,
    ],
    compiler_params=pltpu.CompilerParams(use_tc_tiling_on_sc=True),
)(_body)


@jax.jit
def kernel(x, token_emb, pos_emb):
    tok_pad = jnp.pad(token_emb, ((0, 0), (0, DP - D)))
    pos_pad = jnp.pad(pos_emb, ((0, 0), (0, DP - D)))
    out = _emb(x.astype(jnp.int32), tok_pad, pos_pad)
    return out[:, :, :D]

# --- scband reference (transcript-rebuilt; emitter-appended) ---
"""Pipeline reference for scband-positional-embedding-59021440581860 (READ-ONLY COPY).

The authoritative reference and input builder live on the scoring server;
editing this copy changes nothing except your own understanding.
"""

import jax, jax.numpy as jnp
import numpy as np

VOCAB_SIZE = 1000000
SEQ_LEN = 512
EMBED_DIM = 64
BATCH = 1024


def setup_inputs(seed: int = 0) -> dict:
    key = jax.random.key(seed)
    k1, k2, k3 = jax.random.split(key, 3)
    x = jax.random.randint(k1, (BATCH, SEQ_LEN), 0, VOCAB_SIZE, dtype=jnp.int64 if jax.config.jax_enable_x64 else jnp.int32)
    token_emb = jax.random.normal(k2, (VOCAB_SIZE, EMBED_DIM), dtype=jnp.float32) * 0.02
    pos_emb = jax.random.normal(k3, (SEQ_LEN, EMBED_DIM), dtype=jnp.float32) * 0.02
    return {"x": x, "token_emb": token_emb, "pos_emb": pos_emb}


def reference(x, token_emb, pos_emb):
    # positions = arange(0, L) broadcast to x's shape
    L = x.shape[1]
    positions = jnp.arange(L)
    tok = jnp.take(token_emb, x, axis=0)              # [B, L, D]
    pos = jnp.take(pos_emb, positions, axis=0)        # [L, D]
    out = tok + pos[None, :, :]                       # broadcast over batch
    return out

if __name__ == "__main__":
    import jax
    _d = setup_inputs()
    print(jax.jit(kernel)(*tuple(_d.values())))

</pallas_src>

<mosaic_0001>
#map = affine_map<(d0, d1) -> (0, 0)>
#map1 = affine_map<(d0, d1) -> (0, 0, 0)>
module attributes {stable_mosaic.version = 14 : i64} {
  func.func @_body(%arg0: i32, %arg1: i32, %arg2: memref<1024x512xi32, #tpu.memory_space<hbm>>, %arg3: memref<1000000x128xf32, #tpu.memory_space<hbm>>, %arg4: memref<512x128xf32, #tpu.memory_space<hbm>>, %arg5: memref<1024x512x128xf32, #tpu.memory_space<hbm>>, %arg6: memref<512xi32, #tpu.memory_space<vmem>>, %arg7: memref<512xi32, #tpu.memory_space<vmem>>, %arg8: memref<128x128xf32, #tpu.memory_space<vmem>>, %arg9: memref<128x128xf32, #tpu.memory_space<vmem>>, %arg10: memref<128x128xf32, #tpu.memory_space<vmem>>, %arg11: memref<512x128xf32, #tpu.memory_space<vmem>>, %arg12: memref<!tpu.dma_semaphore, #tpu.memory_space<semaphore_mem>>, %arg13: memref<!tpu.dma_semaphore, #tpu.memory_space<semaphore_mem>>) attributes {dimension_semantics = [#tpu.dimension_semantics<core_parallel>, #tpu.dimension_semantics<subcore_parallel>], iteration_bounds = array<i64: 2, 16>, scalar_prefetch = 0 : i64, scratch_operands = 8 : i64, tpu.core_type = #tpu.core_type<sc_vector_subcore>, window_params = [{transform_indices = #map}, {transform_indices = #map}, {transform_indices = #map}, {transform_indices = #map1}]} {
    %mul3A = arith.constant 2 : i32
    %mul3A_0 = arith.muli %arg1, %mul3A : i32
    %add3A = arith.addi %mul3A_0, %arg0 : i32
    %mul3A_1 = arith.constant 32 : i32
    %mul3A_2 = arith.muli %add3A, %mul3A_1 : i32
    "tpu.region"() ({
      %run_scoped3A = tpu.sem_alloc : memref<!tpu.dma_semaphore, #tpu.memory_space<semaphore_mem>>
      tpu.enqueue_dma source(%arg4 : memref<512x128xf32, #tpu.memory_space<hbm>>) target(%arg11 : memref<512x128xf32, #tpu.memory_space<vmem>>) target_semaphore(%run_scoped3A : memref<!tpu.dma_semaphore, #tpu.memory_space<semaphore_mem>>)
      tpu.wait_dma2 semaphore(%run_scoped3A : memref<!tpu.dma_semaphore, #tpu.memory_space<semaphore_mem>>) src(%arg4 : memref<512x128xf32, #tpu.memory_space<hbm>>) dst(%arg11 : memref<512x128xf32, #tpu.memory_space<vmem>>)
      tpu.yield
    }) : () -> ()
    "tpu.region"() ({
      %run_scoped3A = tpu.sem_alloc : memref<!tpu.dma_semaphore, #tpu.memory_space<semaphore_mem>>
      %dma_start3A = arith.constant 0 : i32
      %dma_start3A_9 = tpu.memref_slice %arg2[%mul3A_2, %dma_start3A] : memref<1024x512xi32, #tpu.memory_space<hbm>> -> memref<1x512xi32, #tpu.memory_space<hbm>>
      %dma_start3A_10 = tpu.memref_squeeze %dma_start3A_9 : memref<1x512xi32, #tpu.memory_space<hbm>> -> memref<512xi32, #tpu.memory_space<hbm>>
      %dma_start3A_11 = arith.constant 0 : i32
      %dma_start3A_12 = tpu.memref_slice %arg2[%mul3A_2, %dma_start3A_11] : memref<1024x512xi32, #tpu.memory_space<hbm>> -> memref<1x512xi32, #tpu.memory_space<hbm>>
      %dma_start3A_13 = tpu.memref_squeeze %dma_start3A_12 : memref<1x512xi32, #tpu.memory_space<hbm>> -> memref<512xi32, #tpu.memory_space<hbm>>
      tpu.enqueue_dma source(%dma_start3A_13 : memref<512xi32, #tpu.memory_space<hbm>>) target(%arg6 : memref<512xi32, #tpu.memory_space<vmem>>) target_semaphore(%run_scoped3A : memref<!tpu.dma_semaphore, #tpu.memory_space<semaphore_mem>>)
      %dma_wait3A = arith.constant 0 : i32
      %dma_wait3A_14 = tpu.memref_slice %arg2[%mul3A_2, %dma_wait3A] : memref<1024x512xi32, #tpu.memory_space<hbm>> -> memref<1x512xi32, #tpu.memory_space<hbm>>
      %dma_wait3A_15 = tpu.memref_squeeze %dma_wait3A_14 : memref<1x512xi32, #tpu.memory_space<hbm>> -> memref<512xi32, #tpu.memory_space<hbm>>
      %dma_wait3A_16 = arith.constant 0 : i32
      %dma_wait3A_17 = tpu.memref_slice %arg2[%mul3A_2, %dma_wait3A_16] : memref<1024x512xi32, #tpu.memory_space<hbm>> -> memref<1x512xi32, #tpu.memory_space<hbm>>
      %dma_wait3A_18 = tpu.memref_squeeze %dma_wait3A_17 : memref<1x512xi32, #tpu.memory_space<hbm>> -> memref<512xi32, #tpu.memory_space<hbm>>
      tpu.wait_dma2 semaphore(%run_scoped3A : memref<!tpu.dma_semaphore, #tpu.memory_space<semaphore_mem>>) src(%dma_wait3A_18 : memref<512xi32, #tpu.memory_space<hbm>>) dst(%arg6 : memref<512xi32, #tpu.memory_space<vmem>>)
      tpu.yield
    }) : () -> ()
    %scan3A = arith.constant 0 : i32
    %scan3A_3 = arith.constant 0 : i32
    %scan3A_4 = arith.constant 32 : i32
    %scan3A_5 = arith.addi %scan3A_3, %scan3A_4 : i32
    %scan3A_6 = arith.constant 1 : i32
    %scan3A_7 = scf.for %scan3A_9 = %scan3A_3 to %scan3A_5 step %scan3A_6 iter_args(%scan3A_10 = %scan3A) -> (i32)  : i32 {
      %add3A_11 = arith.addi %mul3A_2, %scan3A_9 : i32
      %jit3A = arith.constant 2 : i32
      %eq3A = arith.constant 0 : i32
      %eq3A_12 = arith.cmpi eq, %jit3A, %eq3A : i32
      %jit3A_13 = arith.constant 1 : i32
      %select_n3A = arith.select %eq3A_12, %jit3A_13, %jit3A : i32
      %rem3A = arith.remsi %scan3A_9, %select_n3A : i32
      %ne3A = arith.constant 0 : i32
      %ne3A_14 = arith.cmpi ne, %rem3A, %ne3A : i32
      %lt3A = arith.constant 0 : i32
      %lt3A_15 = arith.cmpi slt, %rem3A, %lt3A : i32
      %lt3A_16 = arith.constant 0 : i32
      %lt3A_17 = arith.cmpi slt, %select_n3A, %lt3A_16 : i32
      %ne3A_18 = arith.xori %lt3A_15, %lt3A_17 : i1
      %and3A = arith.andi %ne3A_18, %ne3A_14 : i1
      %add3A_19 = arith.addi %rem3A, %select_n3A : i32
      %select_n3A_20 = arith.select %and3A, %add3A_19, %rem3A : i32
      %eq3A_21 = arith.constant 0 : i32
      %eq3A_22 = arith.cmpi eq, %select_n3A_20, %eq3A_21 : i32
      %convert_element_type3A = arith.extui %eq3A_22 : i1 to i32
      %cond3A = arith.constant 0 : i32
      %cond3A_23 = arith.cmpi ne, %convert_element_type3A, %cond3A : i32
      scf.if %cond3A_23 {
        %dma_start3A = arith.constant 0 : i32
        %dma_start3A_46 = tpu.memref_slice %arg6[%dma_start3A] : memref<512xi32, #tpu.memory_space<vmem>> -> memref<128xi32, #tpu.memory_space<vmem>>
        %dma_start3A_47 = arith.constant 0 : i32
        %dma_start3A_48 = arith.constant 0 : i32
        %dma_start3A_49 = tpu.memref_slice %arg3[%dma_start3A_47, %dma_start3A_48] : memref<1000000x128xf32, #tpu.memory_space<hbm>> -> memref<1000000x128xf32, #tpu.memory_space<hbm>>
        tpu.enqueue_indirect_dma source(%dma_start3A_49 : memref<1000000x128xf32, #tpu.memory_space<hbm>>) target(%arg8 : memref<128x128xf32, #tpu.memory_space<vmem>>) offsets(%dma_start3A_46 : memref<128xi32, #tpu.memory_space<vmem>>) semaphore(%arg12 : memref<!tpu.dma_semaphore, #tpu.memory_space<semaphore_mem>>)
        %dma_start3A_50 = arith.constant 128 : i32
        %dma_start3A_51 = tpu.memref_slice %arg6[%dma_start3A_50] : memref<512xi32, #tpu.memory_space<vmem>> -> memref<128xi32, #tpu.memory_space<vmem>>
        %dma_start3A_52 = arith.constant 0 : i32
        %dma_start3A_53 = arith.constant 0 : i32
        %dma_start3A_54 = tpu.memref_slice %arg3[%dma_start3A_52, %dma_start3A_53] : memref<1000000x128xf32, #tpu.memory_space<hbm>> -> memref<1000000x128xf32, #tpu.memory_space<hbm>>
        tpu.enqueue_indirect_dma source(%dma_start3A_54 : memref<1000000x128xf32, #tpu.memory_space<hbm>>) target(%arg9 : memref<128x128xf32, #tpu.memory_space<vmem>>) offsets(%dma_start3A_51 : memref<128xi32, #tpu.memory_space<vmem>>) semaphore(%arg12 : memref<!tpu.dma_semaphore, #tpu.memory_space<semaphore_mem>>)
        %dma_start3A_55 = arith.constant 256 : i32
        %dma_start3A_56 = tpu.memref_slice %arg6[%dma_start3A_55] : memref<512xi32, #tpu.memory_space<vmem>> -> memref<128xi32, #tpu.memory_space<vmem>>
        %dma_start3A_57 = arith.constant 0 : i32
        %dma_start3A_58 = arith.constant 0 : i32
        %dma_start3A_59 = tpu.memref_slice %arg3[%dma_start3A_57, %dma_start3A_58] : memref<1000000x128xf32, #tpu.memory_space<hbm>> -> memref<1000000x128xf32, #tpu.memory_space<hbm>>
        tpu.enqueue_indirect_dma source(%dma_start3A_59 : memref<1000000x128xf32, #tpu.memory_space<hbm>>) target(%arg10 : memref<128x128xf32, #tpu.memory_space<vmem>>) offsets(%dma_start3A_56 : memref<128xi32, #tpu.memory_space<vmem>>) semaphore(%arg12 : memref<!tpu.dma_semaphore, #tpu.memory_space<semaphore_mem>>)
        %add3A_60 = arith.constant 1 : i32
        %add3A_61 = arith.addi %scan3A_9, %add3A_60 : i32
        %lt3A_62 = arith.constant 32 : i32
        %lt3A_63 = arith.cmpi slt, %add3A_61, %lt3A_62 : i32
        %convert_element_type3A_64 = arith.extui %lt3A_63 : i1 to i32
        %cond3A_65 = arith.constant 0 : i32
        %cond3A_66 = arith.cmpi ne, %convert_element_type3A_64, %cond3A_65 : i32
        scf.if %cond3A_66 {
          %add3A_166 = arith.constant 1 : i32
          %add3A_167 = arith.addi %add3A_11, %add3A_166 : i32
          "tpu.region"() ({
            %run_scoped3A = tpu.sem_alloc : memref<!tpu.dma_semaphore, #tpu.memory_space<semaphore_mem>>
            %dma_start3A_168 = arith.constant 0 : i32
            %dma_start3A_169 = tpu.memref_slice %arg2[%add3A_167, %dma_start3A_168] : memref<1024x512xi32, #tpu.memory_space<hbm>> -> memref<1x512xi32, #tpu.memory_space<hbm>>
            %dma_start3A_170 = tpu.memref_squeeze %dma_start3A_169 : memref<1x512xi32, #tpu.memory_space<hbm>> -> memref<512xi32, #tpu.memory_space<hbm>>
            %dma_start3A_171 = arith.constant 0 : i32
            %dma_start3A_172 = tpu.memref_slice %arg2[%add3A_167, %dma_start3A_171] : memref<1024x512xi32, #tpu.memory_space<hbm>> -> memref<1x512xi32, #tpu.memory_space<hbm>>
            %dma_start3A_173 = tpu.memref_squeeze %dma_start3A_172 : memref<1x512xi32, #tpu.memory_space<hbm>> -> memref<512xi32, #tpu.memory_space<hbm>>
            tpu.enqueue_dma source(%dma_start3A_173 : memref<512xi32, #tpu.memory_space<hbm>>) target(%arg7 : memref<512xi32, #tpu.memory_space<vmem>>) target_semaphore(%run_scoped3A : memref<!tpu.dma_semaphore, #tpu.memory_space<semaphore_mem>>)
            %dma_wait3A_174 = arith.constant 0 : i32
            %dma_wait3A_175 = tpu.memref_slice %arg2[%add3A_167, %dma_wait3A_174] : memref<1024x512xi32, #tpu.memory_space<hbm>> -> memref<1x512xi32, #tpu.memory_space<hbm>>
            %dma_wait3A_176 = tpu.memref_squeeze %dma_wait3A_175 : memref<1x512xi32, #tpu.memory_space<hbm>> -> memref<512xi32, #tpu.memory_space<hbm>>
            %dma_wait3A_177 = arith.constant 0 : i32
            %dma_wait3A_178 = tpu.memref_slice %arg2[%add3A_167, %dma_wait3A_177] : memref<1024x512xi32, #tpu.memory_space<hbm>> -> memref<1x512xi32, #tpu.memory_space<hbm>>
            %dma_wait3A_179 = tpu.memref_squeeze %dma_wait3A_178 : memref<1x512xi32, #tpu.memory_space<hbm>> -> memref<512xi32, #tpu.memory_space<hbm>>
            tpu.wait_dma2 semaphore(%run_scoped3A : memref<!tpu.dma_semaphore, #tpu.memory_space<semaphore_mem>>) src(%dma_wait3A_179 : memref<512xi32, #tpu.memory_space<hbm>>) dst(%arg7 : memref<512xi32, #tpu.memory_space<vmem>>)
            tpu.yield
          }) : () -> ()
        } else {
        }
        %dma_wait3A = arith.constant 0 : i32
        %dma_wait3A_67 = tpu.memref_slice %arg6[%dma_wait3A] : memref<512xi32, #tpu.memory_space<vmem>> -> memref<128xi32, #tpu.memory_space<vmem>>
        %dma_wait3A_68 = arith.constant 0 : i32
        %dma_wait3A_69 = arith.constant 0 : i32
        %dma_wait3A_70 = tpu.memref_slice %arg3[%dma_wait3A_68, %dma_wait3A_69] : memref<1000000x128xf32, #tpu.memory_space<hbm>> -> memref<1000000x128xf32, #tpu.memory_space<hbm>>
        tpu.wait_indirect_dma semaphore(%arg12 : memref<!tpu.dma_semaphore, #tpu.memory_space<semaphore_mem>>) src(%dma_wait3A_70 : memref<1000000x128xf32, #tpu.memory_space<hbm>>) dst(%arg8 : memref<128x128xf32, #tpu.memory_space<vmem>>)
        %parallel_loop3A = arith.constant 0 : i32
        %parallel_loop3A_71 = arith.constant 128 : i32
        %parallel_loop3A_72 = arith.constant 1 : i32
        scf.for %parallel_loop3A_166 = %parallel_loop3A to %parallel_loop3A_71 step %parallel_loop3A_72  : i32 {
          %parallel_loop3A_167 = arith.index_cast %parallel_loop3A_166 : i32 to index
          %parallel_loop3A_168 = arith.constant 0 : index
          %parallel_loop3A_169 = tpu.vector_load %arg8[%parallel_loop3A_167, %parallel_loop3A_168] {strides = array<i32>} : memref<128x128xf32, #tpu.memory_space<vmem>>, vector<1x16xf32>,
          %parallel_loop3A_170 = vector.shape_cast %parallel_loop3A_169 : vector<1x16xf32> to vector<16xf32>
          %parallel_loop3A_171 = arith.constant 0 : i32
          %parallel_loop3A_172 = arith.addi %parallel_loop3A_171, %parallel_loop3A_166 : i32
          %parallel_loop3A_173 = arith.index_cast %parallel_loop3A_172 : i32 to index
          %parallel_loop3A_174 = arith.constant 0 : index
          %parallel_loop3A_175 = tpu.vector_load %arg11[%parallel_loop3A_173, %parallel_loop3A_174] {strides = array<i32>} : memref<512x128xf32, #tpu.memory_space<vmem>>, vector<1x16xf32>,
          %parallel_loop3A_176 = vector.shape_cast %parallel_loop3A_175 : vector<1x16xf32> to vector<16xf32>
          %parallel_loop3A_177 = arith.addf %parallel_loop3A_170, %parallel_loop3A_176 : vector<16xf32>
          %parallel_loop3A_178 = arith.index_cast %parallel_loop3A_166 : i32 to index
          %parallel_loop3A_179 = arith.constant 0 : index
          %parallel_loop3A_180 = tpu.vector_load %arg8[%parallel_loop3A_178, %parallel_loop3A_179] {strides = array<i32>} : memref<128x128xf32, #tpu.memory_space<vmem>>, vector<1x16xf32>,
          %parallel_loop3A_181 = vector.shape_cast %parallel_loop3A_180 : vector<1x16xf32> to vector<16xf32>
          %parallel_loop3A_182 = vector.shape_cast %parallel_loop3A_177 : vector<16xf32> to vector<1x16xf32>
          tpu.vector_store %arg8[%parallel_loop3A_178, %parallel_loop3A_179], %parallel_loop3A_182 {strides = array<i32>} : memref<128x128xf32, #tpu.memory_space<vmem>>, vector<1x16xf32>,
          %parallel_loop3A_183 = arith.index_cast %parallel_loop3A_166 : i32 to index
          %parallel_loop3A_184 = arith.constant 16 : index
          %parallel_loop3A_185 = tpu.vector_load %arg8[%parallel_loop3A_183, %parallel_loop3A_184] {strides = array<i32>} : memref<128x128xf32, #tpu.memory_space<vmem>>, vector<1x16xf32>,
          %parallel_loop3A_186 = vector.shape_cast %parallel_loop3A_185 : vector<1x16xf32> to vector<16xf32>
          %parallel_loop3A_187 = arith.constant 0 : i32
          %parallel_loop3A_188 = arith.addi %parallel_loop3A_187, %parallel_loop3A_166 : i32
          %parallel_loop3A_189 = arith.index_cast %parallel_loop3A_188 : i32 to index
          %parallel_loop3A_190 = arith.constant 16 : index
          %parallel_loop3A_191 = tpu.vector_load %arg11[%parallel_loop3A_189, %parallel_loop3A_190] {strides = array<i32>} : memref<512x128xf32, #tpu.memory_space<vmem>>, vector<1x16xf32>,
          %parallel_loop3A_192 = vector.shape_cast %parallel_loop3A_191 : vector<1x16xf32> to vector<16xf32>
          %parallel_loop3A_193 = arith.addf %parallel_loop3A_186, %parallel_loop3A_192 : vector<16xf32>
          %parallel_loop3A_194 = arith.index_cast %parallel_loop3A_166 : i32 to index
          %parallel_loop3A_195 = arith.constant 16 : index
          %parallel_loop3A_196 = tpu.vector_load %arg8[%parallel_loop3A_194, %parallel_loop3A_195] {strides = array<i32>} : memref<128x128xf32, #tpu.memory_space<vmem>>, vector<1x16xf32>,
          %parallel_loop3A_197 = vector.shape_cast %parallel_loop3A_196 : vector<1x16xf32> to vector<16xf32>
          %parallel_loop3A_198 = vector.shape_cast %parallel_loop3A_193 : vector<16xf32> to vector<1x16xf32>
          tpu.vector_store %arg8[%parallel_loop3A_194, %parallel_loop3A_195], %parallel_loop3A_198 {strides = array<i32>} : memref<128x128xf32, #tpu.memory_space<vmem>>, vector<1x16xf32>,
          %parallel_loop3A_199 = arith.index_cast %parallel_loop3A_166 : i32 to index
          %parallel_loop3A_200 = arith.constant 32 : index
          %parallel_loop3A_201 = tpu.vector_load %arg8[%parallel_loop3A_199, %parallel_loop3A_200] {strides = array<i32>} : memref<128x128xf32, #tpu.memory_space<vmem>>, vector<1x16xf32>,
          %parallel_loop3A_202 = vector.shape_cast %parallel_loop3A_201 : vector<1x16xf32> to vector<16xf32>
          %parallel_loop3A_203 = arith.constant 0 : i32
          %parallel_loop3A_204 = arith.addi %parallel_loop3A_203, %parallel_loop3A_166 : i32
          %parallel_loop3A_205 = arith.index_cast %parallel_loop3A_204 : i32 to index
          %parallel_loop3A_206 = arith.constant 32 : index
          %parallel_loop3A_207 = tpu.vector_load %arg11[%parallel_loop3A_205, %parallel_loop3A_206] {strides = array<i32>} : memref<512x128xf32, #tpu.memory_space<vmem>>, vector<1x16xf32>,
          %parallel_loop3A_208 = vector.shape_cast %parallel_loop3A_207 : vector<1x16xf32> to vector<16xf32>
          %parallel_loop3A_209 = arith.addf %parallel_loop3A_202, %parallel_loop3A_208 : vector<16xf32>
          %parallel_loop3A_210 = arith.index_cast %parallel_loop3A_166 : i32 to index
          %parallel_loop3A_211 = arith.constant 32 : index
          %parallel_loop3A_212 = tpu.vector_load %arg8[%parallel_loop3A_210, %parallel_loop3A_211] {strides = array<i32>} : memref<128x128xf32, #tpu.memory_space<vmem>>, vector<1x16xf32>,
          %parallel_loop3A_213 = vector.shape_cast %parallel_loop3A_212 : vector<1x16xf32> to vector<16xf32>
          %parallel_loop3A_214 = vector.shape_cast %parallel_loop3A_209 : vector<16xf32> to vector<1x16xf32>
          tpu.vector_store %arg8[%parallel_loop3A_210, %parallel_loop3A_211], %parallel_loop3A_214 {strides = array<i32>} : memref<128x128xf32, #tpu.memory_space<vmem>>, vector<1x16xf32>,
          %parallel_loop3A_215 = arith.index_cast %parallel_loop3A_166 : i32 to index
          %parallel_loop3A_216 = arith.constant 48 : index
          %parallel_loop3A_217 = tpu.vector_load %arg8[%parallel_loop3A_215, %parallel_loop3A_216] {strides = array<i32>} : memref<128x128xf32, #tpu.memory_space<vmem>>, vector<1x16xf32>,
          %parallel_loop3A_218 = vector.shape_cast %parallel_loop3A_217 : vector<1x16xf32> to vector<16xf32>
          %parallel_loop3A_219 = arith.constant 0 : i32
          %parallel_loop3A_220 = arith.addi %parallel_loop3A_219, %parallel_loop3A_166 : i32
          %parallel_loop3A_221 = arith.index_cast %parallel_loop3A_220 : i32 to index
          %parallel_loop3A_222 = arith.constant 48 : index
          %parallel_loop3A_223 = tpu.vector_load %arg11[%parallel_loop3A_221, %parallel_loop3A_222] {strides = array<i32>} : memref<512x128xf32, #tpu.memory_space<vmem>>, vector<1x16xf32>,
          %parallel_loop3A_224 = vector.shape_cast %parallel_loop3A_223 : vector<1x16xf32> to vector<16xf32>
          %parallel_loop3A_225 = arith.addf %parallel_loop3A_218, %parallel_loop3A_224 : vector<16xf32>
          %parallel_loop3A_226 = arith.index_cast %parallel_loop3A_166 : i32 to index
          %parallel_loop3A_227 = arith.constant 48 : index
          %parallel_loop3A_228 = tpu.vector_load %arg8[%parallel_loop3A_226, %parallel_loop3A_227] {strides = array<i32>} : memref<128x128xf32, #tpu.memory_space<vmem>>, vector<1x16xf32>,
          %parallel_loop3A_229 = vector.shape_cast %parallel_loop3A_228 : vector<1x16xf32> to vector<16xf32>
          %parallel_loop3A_230 = vector.shape_cast %parallel_loop3A_225 : vector<16xf32> to vector<1x16xf32>
          tpu.vector_store %arg8[%parallel_loop3A_226, %parallel_loop3A_227], %parallel_loop3A_230 {strides = array<i32>} : memref<128x128xf32, #tpu.memory_space<vmem>>, vector<1x16xf32>,
        } {sc.loop_unroll_factor = 4 : i64, sc.parallel_access}
        %dma_start3A_73 = arith.constant 0 : i32
        %dma_start3A_74 = arith.constant 0 : i32
        %dma_start3A_75 = tpu.memref_slice %arg5[%add3A_11, %dma_start3A_73, %dma_start3A_74] : memref<1024x512x128xf32, #tpu.memory_space<hbm>> -> memref<1x128x128xf32, #tpu.memory_space<hbm>>
        %dma_start3A_76 = tpu.memref_squeeze %dma_start3A_75 : memref<1x128x128xf32, #tpu.memory_space<hbm>> -> memref<128x128xf32, #tpu.memory_space<hbm>>
        %dma_start3A_77 = arith.constant 0 : i32
        %dma_start3A_78 = arith.constant 0 : i32
        %dma_start3A_79 = tpu.memref_slice %arg5[%add3A_11, %dma_start3A_77, %dma_start3A_78] : memref<1024x512x128xf32, #tpu.memory_space<hbm>> -> memref<1x128x128xf32, #tpu.memory_space<hbm>>
        %dma_start3A_80 = tpu.memref_squeeze %dma_start3A_79 : memref<1x128x128xf32, #tpu.memory_space<hbm>> -> memref<128x128xf32, #tpu.memory_space<hbm>>
        tpu.enqueue_dma source(%arg8 : memref<128x128xf32, #tpu.memory_space<vmem>>) target(%dma_start3A_80 : memref<128x128xf32, #tpu.memory_space<hbm>>) target_semaphore(%arg13 : memref<!tpu.dma_semaphore, #tpu.memory_space<semaphore_mem>>)
        %dma_wait3A_81 = arith.constant 128 : i32
        %dma_wait3A_82 = tpu.memref_slice %arg6[%dma_wait3A_81] : memref<512xi32, #tpu.memory_space<vmem>> -> memref<128xi32, #tpu.memory_space<vmem>>
        %dma_wait3A_83 = arith.constant 0 : i32
        %dma_wait3A_84 = arith.constant 0 : i32
        %dma_wait3A_85 = tpu.memref_slice %arg3[%dma_wait3A_83, %dma_wait3A_84] : memref<1000000x128xf32, #tpu.memory_space<hbm>> -> memref<1000000x128xf32, #tpu.memory_space<hbm>>
        tpu.wait_indirect_dma semaphore(%arg12 : memref<!tpu.dma_semaphore, #tpu.memory_space<semaphore_mem>>) src(%dma_wait3A_85 : memref<1000000x128xf32, #tpu.memory_space<hbm>>) dst(%arg9 : memref<128x128xf32, #tpu.memory_space<vmem>>)
        %parallel_loop3A_86 = arith.constant 0 : i32
        %parallel_loop3A_87 = arith.constant 128 : i32
        %parallel_loop3A_88 = arith.constant 1 : i32
        scf.for %parallel_loop3A_166 = %parallel_loop3A_86 to %parallel_loop3A_87 step %parallel_loop3A_88  : i32 {
          %parallel_loop3A_167 = arith.index_cast %parallel_loop3A_166 : i32 to index
          %parallel_loop3A_168 = arith.constant 0 : index
          %parallel_loop3A_169 = tpu.vector_load %arg9[%parallel_loop3A_167, %parallel_loop3A_168] {strides = array<i32>} : memref<128x128xf32, #tpu.memory_space<vmem>>, vector<1x16xf32>,
          %parallel_loop3A_170 = vector.shape_cast %parallel_loop3A_169 : vector<1x16xf32> to vector<16xf32>
          %parallel_loop3A_171 = arith.constant 128 : i32
          %parallel_loop3A_172 = arith.addi %parallel_loop3A_171, %parallel_loop3A_166 : i32
          %parallel_loop3A_173 = arith.index_cast %parallel_loop3A_172 : i32 to index
          %parallel_loop3A_174 = arith.constant 0 : index
          %parallel_loop3A_175 = tpu.vector_load %arg11[%parallel_loop3A_173, %parallel_loop3A_174] {strides = array<i32>} : memref<512x128xf32, #tpu.memory_space<vmem>>, vector<1x16xf32>,
          %parallel_loop3A_176 = vector.shape_cast %parallel_loop3A_175 : vector<1x16xf32> to vector<16xf32>
          %parallel_loop3A_177 = arith.addf %parallel_loop3A_170, %parallel_loop3A_176 : vector<16xf32>
          %parallel_loop3A_178 = arith.index_cast %parallel_loop3A_166 : i32 to index
          %parallel_loop3A_179 = arith.constant 0 : index
          %parallel_loop3A_180 = tpu.vector_load %arg9[%parallel_loop3A_178, %parallel_loop3A_179] {strides = array<i32>} : memref<128x128xf32, #tpu.memory_space<vmem>>, vector<1x16xf32>,
          %parallel_loop3A_181 = vector.shape_cast %parallel_loop3A_180 : vector<1x16xf32> to vector<16xf32>
          %parallel_loop3A_182 = vector.shape_cast %parallel_loop3A_177 : vector<16xf32> to vector<1x16xf32>
          tpu.vector_store %arg9[%parallel_loop3A_178, %parallel_loop3A_179], %parallel_loop3A_182 {strides = array<i32>} : memref<128x128xf32, #tpu.memory_space<vmem>>, vector<1x16xf32>,
          %parallel_loop3A_183 = arith.index_cast %parallel_loop3A_166 : i32 to index
          %parallel_loop3A_184 = arith.constant 16 : index
          %parallel_loop3A_185 = tpu.vector_load %arg9[%parallel_loop3A_183, %parallel_loop3A_184] {strides = array<i32>} : memref<128x128xf32, #tpu.memory_space<vmem>>, vector<1x16xf32>,
          %parallel_loop3A_186 = vector.shape_cast %parallel_loop3A_185 : vector<1x16xf32> to vector<16xf32>
          %parallel_loop3A_187 = arith.constant 128 : i32
          %parallel_loop3A_188 = arith.addi %parallel_loop3A_187, %parallel_loop3A_166 : i32
          %parallel_loop3A_189 = arith.index_cast %parallel_loop3A_188 : i32 to index
          %parallel_loop3A_190 = arith.constant 16 : index
          %parallel_loop3A_191 = tpu.vector_load %arg11[%parallel_loop3A_189, %parallel_loop3A_190] {strides = array<i32>} : memref<512x128xf32, #tpu.memory_space<vmem>>, vector<1x16xf32>,
          %parallel_loop3A_192 = vector.shape_cast %parallel_loop3A_191 : vector<1x16xf32> to vector<16xf32>
          %parallel_loop3A_193 = arith.addf %parallel_loop3A_186, %parallel_loop3A_192 : vector<16xf32>
          %parallel_loop3A_194 = arith.index_cast %parallel_loop3A_166 : i32 to index
          %parallel_loop3A_195 = arith.constant 16 : index
          %parallel_loop3A_196 = tpu.vector_load %arg9[%parallel_loop3A_194, %parallel_loop3A_195] {strides = array<i32>} : memref<128x128xf32, #tpu.memory_space<vmem>>, vector<1x16xf32>,
          %parallel_loop3A_197 = vector.shape_cast %parallel_loop3A_196 : vector<1x16xf32> to vector<16xf32>
          %parallel_loop3A_198 = vector.shape_cast %parallel_loop3A_193 : vector<16xf32> to vector<1x16xf32>
          tpu.vector_store %arg9[%parallel_loop3A_194, %parallel_loop3A_195], %parallel_loop3A_198 {strides = array<i32>} : memref<128x128xf32, #tpu.memory_space<vmem>>, vector<1x16xf32>,
          %parallel_loop3A_199 = arith.index_cast %parallel_loop3A_166 : i32 to index
          %parallel_loop3A_200 = arith.constant 32 : index
          %parallel_loop3A_201 = tpu.vector_load %arg9[%parallel_loop3A_199, %parallel_loop3A_200] {strides = array<i32>} : memref<128x128xf32, #tpu.memory_space<vmem>>, vector<1x16xf32>,
          %parallel_loop3A_202 = vector.shape_cast %parallel_loop3A_201 : vector<1x16xf32> to vector<16xf32>
          %parallel_loop3A_203 = arith.constant 128 : i32
          %parallel_loop3A_204 = arith.addi %parallel_loop3A_203, %parallel_loop3A_166 : i32
          %parallel_loop3A_205 = arith.index_cast %parallel_loop3A_204 : i32 to index
          %parallel_loop3A_206 = arith.constant 32 : index
          %parallel_loop3A_207 = tpu.vector_load %arg11[%parallel_loop3A_205, %parallel_loop3A_206] {strides = array<i32>} : memref<512x128xf32, #tpu.memory_space<vmem>>, vector<1x16xf32>,
          %parallel_loop3A_208 = vector.shape_cast %parallel_loop3A_207 : vector<1x16xf32> to vector<16xf32>
          %parallel_loop3A_209 = arith.addf %parallel_loop3A_202, %parallel_loop3A_208 : vector<16xf32>
          %parallel_loop3A_210 = arith.index_cast %parallel_loop3A_166 : i32 to index
          %parallel_loop3A_211 = arith.constant 32 : index
          %parallel_loop3A_212 = tpu.vector_load %arg9[%parallel_loop3A_210, %parallel_loop3A_211] {strides = array<i32>} : memref<128x128xf32, #tpu.memory_space<vmem>>, vector<1x16xf32>,
          %parallel_loop3A_213 = vector.shape_cast %parallel_loop3A_212 : vector<1x16xf32> to vector<16xf32>
          %parallel_loop3A_214 = vector.shape_cast %parallel_loop3A_209 : vector<16xf32> to vector<1x16xf32>
          tpu.vector_store %arg9[%parallel_loop3A_210, %parallel_loop3A_211], %parallel_loop3A_214 {strides = array<i32>} : memref<128x128xf32, #tpu.memory_space<vmem>>, vector<1x16xf32>,
          %parallel_loop3A_215 = arith.index_cast %parallel_loop3A_166 : i32 to index
          %parallel_loop3A_216 = arith.constant 48 : index
          %parallel_loop3A_217 = tpu.vector_load %arg9[%parallel_loop3A_215, %parallel_loop3A_216] {strides = array<i32>} : memref<128x128xf32, #tpu.memory_space<vmem>>, vector<1x16xf32>,
          %parallel_loop3A_218 = vector.shape_cast %parallel_loop3A_217 : vector<1x16xf32> to vector<16xf32>
          %parallel_loop3A_219 = arith.constant 128 : i32
          %parallel_loop3A_220 = arith.addi %parallel_loop3A_219, %parallel_loop3A_166 : i32
          %parallel_loop3A_221 = arith.index_cast %parallel_loop3A_220 : i32 to index
          %parallel_loop3A_222 = arith.constant 48 : index
          %parallel_loop3A_223 = tpu.vector_load %arg11[%parallel_loop3A_221, %parallel_loop3A_222] {strides = array<i32>} : memref<512x128xf32, #tpu.memory_space<vmem>>, vector<1x16xf32>,
          %parallel_loop3A_224 = vector.shape_cast %parallel_loop3A_223 : vector<1x16xf32> to vector<16xf32>
          %parallel_loop3A_225 = arith.addf %parallel_loop3A_218, %parallel_loop3A_224 : vector<16xf32>
          %parallel_loop3A_226 = arith.index_cast %parallel_loop3A_166 : i32 to index
          %parallel_loop3A_227 = arith.constant 48 : index
          %parallel_loop3A_228 = tpu.vector_load %arg9[%parallel_loop3A_226, %parallel_loop3A_227] {strides = array<i32>} : memref<128x128xf32, #tpu.memory_space<vmem>>, vector<1x16xf32>,
          %parallel_loop3A_229 = vector.shape_cast %parallel_loop3A_228 : vector<1x16xf32> to vector<16xf32>
          %parallel_loop3A_230 = vector.shape_cast %parallel_loop3A_225 : vector<16xf32> to vector<1x16xf32>
          tpu.vector_store %arg9[%parallel_loop3A_226, %parallel_loop3A_227], %parallel_loop3A_230 {strides = array<i32>} : memref<128x128xf32, #tpu.memory_space<vmem>>, vector<1x16xf32>,
        } {sc.loop_unroll_factor = 4 : i64, sc.parallel_access}
        %dma_start3A_89 = arith.constant 128 : i32
        %dma_start3A_90 = arith.constant 0 : i32
        %dma_start3A_91 = tpu.memref_slice %arg5[%add3A_11, %dma_start3A_89, %dma_start3A_90] : memref<1024x512x128xf32, #tpu.memory_space<hbm>> -> memref<1x128x128xf32, #tpu.memory_space<hbm>>
        %dma_start3A_92 = tpu.memref_squeeze %dma_start3A_91 : memref<1x128x128xf32, #tpu.memory_space<hbm>> -> memref<128x128xf32, #tpu.memory_space<hbm>>
        %dma_start3A_93 = arith.constant 128 : i32
        %dma_start3A_94 = arith.constant 0 : i32
        %dma_start3A_95 = tpu.memref_slice %arg5[%add3A_11, %dma_start3A_93, %dma_start3A_94] : memref<1024x512x128xf32, #tpu.memory_space<hbm>> -> memref<1x128x128xf32, #tpu.memory_space<hbm>>
        %dma_start3A_96 = tpu.memref_squeeze %dma_start3A_95 : memref<1x128x128xf32, #tpu.memory_space<hbm>> -> memref<128x128xf32, #tpu.memory_space<hbm>>
        tpu.enqueue_dma source(%arg9 : memref<128x128xf32, #tpu.memory_space<vmem>>) target(%dma_start3A_96 : memref<128x128xf32, #tpu.memory_space<hbm>>) target_semaphore(%arg13 : memref<!tpu.dma_semaphore, #tpu.memory_space<semaphore_mem>>)
        %dma_wait3A_97 = arith.constant 0 : i32
        %dma_wait3A_98 = arith.constant 0 : i32
        %dma_wait3A_99 = tpu.memref_slice %arg5[%add3A_11, %dma_wait3A_97, %dma_wait3A_98] : memref<1024x512x128xf32, #tpu.memory_space<hbm>> -> memref<1x128x128xf32, #tpu.memory_space<hbm>>
        %dma_wait3A_100 = tpu.memref_squeeze %dma_wait3A_99 : memref<1x128x128xf32, #tpu.memory_space<hbm>> -> memref<128x128xf32, #tpu.memory_space<hbm>>
        %dma_wait3A_101 = arith.constant 0 : i32
        %dma_wait3A_102 = arith.constant 0 : i32
        %dma_wait3A_103 = tpu.memref_slice %arg5[%add3A_11, %dma_wait3A_101, %dma_wait3A_102] : memref<1024x512x128xf32, #tpu.memory_space<hbm>> -> memref<1x128x128xf32, #tpu.memory_space<hbm>>
        %dma_wait3A_104 = tpu.memref_squeeze %dma_wait3A_103 : memref<1x128x128xf32, #tpu.memory_space<hbm>> -> memref<128x128xf32, #tpu.memory_space<hbm>>
        tpu.wait_dma2 semaphore(%arg13 : memref<!tpu.dma_semaphore, #tpu.memory_space<semaphore_mem>>) src(%arg8 : memref<128x128xf32, #tpu.memory_space<vmem>>) dst(%dma_wait3A_104 : memref<128x128xf32, #tpu.memory_space<hbm>>)
        %dma_start3A_105 = arith.constant 384 : i32
        %dma_start3A_106 = tpu.memref_slice %arg6[%dma_start3A_105] : memref<512xi32, #tpu.memory_space<vmem>> -> memref<128xi32, #tpu.memory_space<vmem>>
        %dma_start3A_107 = arith.constant 0 : i32
        %dma_start3A_108 = arith.constant 0 : i32
        %dma_start3A_109 = tpu.memref_slice %arg3[%dma_start3A_107, %dma_start3A_108] : memref<1000000x128xf32, #tpu.memory_space<hbm>> -> memref<1000000x128xf32, #tpu.memory_space<hbm>>
        tpu.enqueue_indirect_dma source(%dma_start3A_109 : memref<1000000x128xf32, #tpu.memory_space<hbm>>) target(%arg8 : memref<128x128xf32, #tpu.memory_space<vmem>>) offsets(%dma_start3A_106 : memref<128xi32, #tpu.memory_space<vmem>>) semaphore(%arg12 : memref<!tpu.dma_semaphore, #tpu.memory_space<semaphore_mem>>)
        %dma_wait3A_110 = arith.constant 256 : i32
        %dma_wait3A_111 = tpu.memref_slice %arg6[%dma_wait3A_110] : memref<512xi32, #tpu.memory_space<vmem>> -> memref<128xi32, #tpu.memory_space<vmem>>
        %dma_wait3A_112 = arith.constant 0 : i32
        %dma_wait3A_113 = arith.constant 0 : i32
        %dma_wait3A_114 = tpu.memref_slice %arg3[%dma_wait3A_112, %dma_wait3A_113] : memref<1000000x128xf32, #tpu.memory_space<hbm>> -> memref<1000000x128xf32, #tpu.memory_space<hbm>>
        tpu.wait_indirect_dma semaphore(%arg12 : memref<!tpu.dma_semaphore, #tpu.memory_space<semaphore_mem>>) src(%dma_wait3A_114 : memref<1000000x128xf32, #tpu.memory_space<hbm>>) dst(%arg10 : memref<128x128xf32, #tpu.memory_space<vmem>>)
        %parallel_loop3A_115 = arith.constant 0 : i32
        %parallel_loop3A_116 = arith.constant 128 : i32
        %parallel_loop3A_117 = arith.constant 1 : i32
        scf.for %parallel_loop3A_166 = %parallel_loop3A_115 to %parallel_loop3A_116 step %parallel_loop3A_117  : i32 {
          %parallel_loop3A_167 = arith.index_cast %parallel_loop3A_166 : i32 to index
          %parallel_loop3A_168 = arith.constant 0 : index
          %parallel_loop3A_169 = tpu.vector_load %arg10[%parallel_loop3A_167, %parallel_loop3A_168] {strides = array<i32>} : memref<128x128xf32, #tpu.memory_space<vmem>>, vector<1x16xf32>,
          %parallel_loop3A_170 = vector.shape_cast %parallel_loop3A_169 : vector<1x16xf32> to vector<16xf32>
          %parallel_loop3A_171 = arith.constant 256 : i32
          %parallel_loop3A_172 = arith.addi %parallel_loop3A_171, %parallel_loop3A_166 : i32
          %parallel_loop3A_173 = arith.index_cast %parallel_loop3A_172 : i32 to index
          %parallel_loop3A_174 = arith.constant 0 : index
          %parallel_loop3A_175 = tpu.vector_load %arg11[%parallel_loop3A_173, %parallel_loop3A_174] {strides = array<i32>} : memref<512x128xf32, #tpu.memory_space<vmem>>, vector<1x16xf32>,
          %parallel_loop3A_176 = vector.shape_cast %parallel_loop3A_175 : vector<1x16xf32> to vector<16xf32>
          %parallel_loop3A_177 = arith.addf %parallel_loop3A_170, %parallel_loop3A_176 : vector<16xf32>
          %parallel_loop3A_178 = arith.index_cast %parallel_loop3A_166 : i32 to index
          %parallel_loop3A_179 = arith.constant 0 : index
          %parallel_loop3A_180 = tpu.vector_load %arg10[%parallel_loop3A_178, %parallel_loop3A_179] {strides = array<i32>} : memref<128x128xf32, #tpu.memory_space<vmem>>, vector<1x16xf32>,
          %parallel_loop3A_181 = vector.shape_cast %parallel_loop3A_180 : vector<1x16xf32> to vector<16xf32>
          %parallel_loop3A_182 = vector.shape_cast %parallel_loop3A_177 : vector<16xf32> to vector<1x16xf32>
          tpu.vector_store %arg10[%parallel_loop3A_178, %parallel_loop3A_179], %parallel_loop3A_182 {strides = array<i32>} : memref<128x128xf32, #tpu.memory_space<vmem>>, vector<1x16xf32>,
          %parallel_loop3A_183 = arith.index_cast %parallel_loop3A_166 : i32 to index
          %parallel_loop3A_184 = arith.constant 16 : index
          %parallel_loop3A_185 = tpu.vector_load %arg10[%parallel_loop3A_183, %parallel_loop3A_184] {strides = array<i32>} : memref<128x128xf32, #tpu.memory_space<vmem>>, vector<1x16xf32>,
          %parallel_loop3A_186 = vector.shape_cast %parallel_loop3A_185 : vector<1x16xf32> to vector<16xf32>
          %parallel_loop3A_187 = arith.constant 256 : i32
          %parallel_loop3A_188 = arith.addi %parallel_loop3A_187, %parallel_loop3A_166 : i32
          %parallel_loop3A_189 = arith.index_cast %parallel_loop3A_188 : i32 to index
          %parallel_loop3A_190 = arith.constant 16 : index
          %parallel_loop3A_191 = tpu.vector_load %arg11[%parallel_loop3A_189, %parallel_loop3A_190] {strides = array<i32>} : memref<512x128xf32, #tpu.memory_space<vmem>>, vector<1x16xf32>,
          %parallel_loop3A_192 = vector.shape_cast %parallel_loop3A_191 : vector<1x16xf32> to vector<16xf32>
          %parallel_loop3A_193 = arith.addf %parallel_loop3A_186, %parallel_loop3A_192 : vector<16xf32>
          %parallel_loop3A_194 = arith.index_cast %parallel_loop3A_166 : i32 to index
          %parallel_loop3A_195 = arith.constant 16 : index
          %parallel_loop3A_196 = tpu.vector_load %arg10[%parallel_loop3A_194, %parallel_loop3A_195] {strides = array<i32>} : memref<128x128xf32, #tpu.memory_space<vmem>>, vector<1x16xf32>,
          %parallel_loop3A_197 = vector.shape_cast %parallel_loop3A_196 : vector<1x16xf32> to vector<16xf32>
          %parallel_loop3A_198 = vector.shape_cast %parallel_loop3A_193 : vector<16xf32> to vector<1x16xf32>
          tpu.vector_store %arg10[%parallel_loop3A_194, %parallel_loop3A_195], %parallel_loop3A_198 {strides = array<i32>} : memref<128x128xf32, #tpu.memory_space<vmem>>, vector<1x16xf32>,
          %parallel_loop3A_199 = arith.index_cast %parallel_loop3A_166 : i32 to index
          %parallel_loop3A_200 = arith.constant 32 : index
          %parallel_loop3A_201 = tpu.vector_load %arg10[%parallel_loop3A_199, %parallel_loop3A_200] {strides = array<i32>} : memref<128x128xf32, #tpu.memory_space<vmem>>, vector<1x16xf32>,
          %parallel_loop3A_202 = vector.shape_cast %parallel_loop3A_201 : vector<1x16xf32> to vector<16xf32>
          %parallel_loop3A_203 = arith.constant 256 : i32
          %parallel_loop3A_204 = arith.addi %parallel_loop3A_203, %parallel_loop3A_166 : i32
          %parallel_loop3A_205 = arith.index_cast %parallel_loop3A_204 : i32 to index
          %parallel_loop3A_206 = arith.constant 32 : index
          %parallel_loop3A_207 = tpu.vector_load %arg11[%parallel_loop3A_205, %parallel_loop3A_206] {strides = array<i32>} : memref<512x128xf32, #tpu.memory_space<vmem>>, vector<1x16xf32>,
          %parallel_loop3A_208 = vector.shape_cast %parallel_loop3A_207 : vector<1x16xf32> to vector<16xf32>
          %parallel_loop3A_209 = arith.addf %parallel_loop3A_202, %parallel_loop3A_208 : vector<16xf32>
          %parallel_loop3A_210 = arith.index_cast %parallel_loop3A_166 : i32 to index
          %parallel_loop3A_211 = arith.constant 32 : index
          %parallel_loop3A_212 = tpu.vector_load %arg10[%parallel_loop3A_210, %parallel_loop3A_211] {strides = array<i32>} : memref<128x128xf32, #tpu.memory_space<vmem>>, vector<1x16xf32>,
          %parallel_loop3A_213 = vector.shape_cast %parallel_loop3A_212 : vector<1x16xf32> to vector<16xf32>
          %parallel_loop3A_214 = vector.shape_cast %parallel_loop3A_209 : vector<16xf32> to vector<1x16xf32>
          tpu.vector_store %arg10[%parallel_loop3A_210, %parallel_loop3A_211], %parallel_loop3A_214 {strides = array<i32>} : memref<128x128xf32, #tpu.memory_space<vmem>>, vector<1x16xf32>,
          %parallel_loop3A_215 = arith.index_cast %parallel_loop3A_166 : i32 to index
          %parallel_loop3A_216 = arith.constant 48 : index
          %parallel_loop3A_217 = tpu.vector_load %arg10[%parallel_loop3A_215, %parallel_loop3A_216] {strides = array<i32>} : memref<128x128xf32, #tpu.memory_space<vmem>>, vector<1x16xf32>,
          %parallel_loop3A_218 = vector.shape_cast %parallel_loop3A_217 : vector<1x16xf32> to vector<16xf32>
          %parallel_loop3A_219 = arith.constant 256 : i32
          %parallel_loop3A_220 = arith.addi %parallel_loop3A_219, %parallel_loop3A_166 : i32
          %parallel_loop3A_221 = arith.index_cast %parallel_loop3A_220 : i32 to index
          %parallel_loop3A_222 = arith.constant 48 : index
          %parallel_loop3A_223 = tpu.vector_load %arg11[%parallel_loop3A_221, %parallel_loop3A_222] {strides = array<i32>} : memref<512x128xf32, #tpu.memory_space<vmem>>, vector<1x16xf32>,
          %parallel_loop3A_224 = vector.shape_cast %parallel_loop3A_223 : vector<1x16xf32> to vector<16xf32>
          %parallel_loop3A_225 = arith.addf %parallel_loop3A_218, %parallel_loop3A_224 : vector<16xf32>
          %parallel_loop3A_226 = arith.index_cast %parallel_loop3A_166 : i32 to index
          %parallel_loop3A_227 = arith.constant 48 : index
          %parallel_loop3A_228 = tpu.vector_load %arg10[%parallel_loop3A_226, %parallel_loop3A_227] {strides = array<i32>} : memref<128x128xf32, #tpu.memory_space<vmem>>, vector<1x16xf32>,
          %parallel_loop3A_229 = vector.shape_cast %parallel_loop3A_228 : vector<1x16xf32> to vector<16xf32>
          %parallel_loop3A_230 = vector.shape_cast %parallel_loop3A_225 : vector<16xf32> to vector<1x16xf32>
          tpu.vector_store %arg10[%parallel_loop3A_226, %parallel_loop3A_227], %parallel_loop3A_230 {strides = array<i32>} : memref<128x128xf32, #tpu.memory_space<vmem>>, vector<1x16xf32>,
        } {sc.loop_unroll_factor = 4 : i64, sc.parallel_access}
        %dma_start3A_118 = arith.constant 256 : i32
        %dma_start3A_119 = arith.constant 0 : i32
        %dma_start3A_120 = tpu.memref_slice %arg5[%add3A_11, %dma_start3A_118, %dma_start3A_119] : memref<1024x512x128xf32, #tpu.memory_space<hbm>> -> memref<1x128x128xf32, #tpu.memory_space<hbm>>
        %dma_start3A_121 = tpu.memref_squeeze %dma_start3A_120 : memref<1x128x128xf32, #tpu.memory_space<hbm>> -> memref<128x128xf32, #tpu.memory_space<hbm>>
        %dma_start3A_122 = arith.constant 256 : i32
        %dma_start3A_123 = arith.constant 0 : i32
        %dma_start3A_124 = tpu.memref_slice %arg5[%add3A_11, %dma_start3A_122, %dma_start3A_123] : memref<1024x512x128xf32, #tpu.memory_space<hbm>> -> memref<1x128x128xf32, #tpu.memory_space<hbm>>
        %dma_start3A_125 = tpu.memref_squeeze %dma_start3A_124 : memref<1x128x128xf32, #tpu.memory_space<hbm>> -> memref<128x128xf32, #tpu.memory_space<hbm>>
        tpu.enqueue_dma source(%arg10 : memref<128x128xf32, #tpu.memory_space<vmem>>) target(%dma_start3A_125 : memref<128x128xf32, #tpu.memory_space<hbm>>) target_semaphore(%arg13 : memref<!tpu.dma_semaphore, #tpu.memory_space<semaphore_mem>>)
        %dma_wait3A_126 = arith.constant 384 : i32
        %dma_wait3A_127 = tpu.memref_slice %arg6[%dma_wait3A_126] : memref<512xi32, #tpu.memory_space<vmem>> -> memref<128xi32, #tpu.memory_space<vmem>>
        %dma_wait3A_128 = arith.constant 0 : i32
        %dma_wait3A_129 = arith.constant 0 : i32
        %dma_wait3A_130 = tpu.memref_slice %arg3[%dma_wait3A_128, %dma_wait3A_129] : memref<1000000x128xf32, #tpu.memory_space<hbm>> -> memref<1000000x128xf32, #tpu.memory_space<hbm>>
        tpu.wait_indirect_dma semaphore(%arg12 : memref<!tpu.dma_semaphore, #tpu.memory_space<semaphore_mem>>) src(%dma_wait3A_130 : memref<1000000x128xf32, #tpu.memory_space<hbm>>) dst(%arg8 : memref<128x128xf32, #tpu.memory_space<vmem>>)
        %parallel_loop3A_131 = arith.constant 0 : i32
        %parallel_loop3A_132 = arith.constant 128 : i32
        %parallel_loop3A_133 = arith.constant 1 : i32
        scf.for %parallel_loop3A_166 = %parallel_loop3A_131 to %parallel_loop3A_132 step %parallel_loop3A_133  : i32 {
          %parallel_loop3A_167 = arith.index_cast %parallel_loop3A_166 : i32 to index
          %parallel_loop3A_168 = arith.constant 0 : index
          %parallel_loop3A_169 = tpu.vector_load %arg8[%parallel_loop3A_167, %parallel_loop3A_168] {strides = array<i32>} : memref<128x128xf32, #tpu.memory_space<vmem>>, vector<1x16xf32>,
          %parallel_loop3A_170 = vector.shape_cast %parallel_loop3A_169 : vector<1x16xf32> to vector<16xf32>
          %parallel_loop3A_171 = arith.constant 384 : i32
          %parallel_loop3A_172 = arith.addi %parallel_loop3A_171, %parallel_loop3A_166 : i32
          %parallel_loop3A_173 = arith.index_cast %parallel_loop3A_172 : i32 to index
          %parallel_loop3A_174 = arith.constant 0 : index
          %parallel_loop3A_175 = tpu.vector_load %arg11[%parallel_loop3A_173, %parallel_loop3A_174] {strides = array<i32>} : memref<512x128xf32, #tpu.memory_space<vmem>>, vector<1x16xf32>,
          %parallel_loop3A_176 = vector.shape_cast %parallel_loop3A_175 : vector<1x16xf32> to vector<16xf32>
          %parallel_loop3A_177 = arith.addf %parallel_loop3A_170, %parallel_loop3A_176 : vector<16xf32>
          %parallel_loop3A_178 = arith.index_cast %parallel_loop3A_166 : i32 to index
          %parallel_loop3A_179 = arith.constant 0 : index
          %parallel_loop3A_180 = tpu.vector_load %arg8[%parallel_loop3A_178, %parallel_loop3A_179] {strides = array<i32>} : memref<128x128xf32, #tpu.memory_space<vmem>>, vector<1x16xf32>,
          %parallel_loop3A_181 = vector.shape_cast %parallel_loop3A_180 : vector<1x16xf32> to vector<16xf32>
          %parallel_loop3A_182 = vector.shape_cast %parallel_loop3A_177 : vector<16xf32> to vector<1x16xf32>
          tpu.vector_store %arg8[%parallel_loop3A_178, %parallel_loop3A_179], %parallel_loop3A_182 {strides = array<i32>} : memref<128x128xf32, #tpu.memory_space<vmem>>, vector<1x16xf32>,
          %parallel_loop3A_183 = arith.index_cast %parallel_loop3A_166 : i32 to index
          %parallel_loop3A_184 = arith.constant 16 : index
          %parallel_loop3A_185 = tpu.vector_load %arg8[%parallel_loop3A_183, %parallel_loop3A_184] {strides = array<i32>} : memref<128x128xf32, #tpu.memory_space<vmem>>, vector<1x16xf32>,
          %parallel_loop3A_186 = vector.shape_cast %parallel_loop3A_185 : vector<1x16xf32> to vector<16xf32>
          %parallel_loop3A_187 = arith.constant 384 : i32
          %parallel_loop3A_188 = arith.addi %parallel_loop3A_187, %parallel_loop3A_166 : i32
          %parallel_loop3A_189 = arith.index_cast %parallel_loop3A_188 : i32 to index
          %parallel_loop3A_190 = arith.constant 16 : index
          %parallel_loop3A_191 = tpu.vector_load %arg11[%parallel_loop3A_189, %parallel_loop3A_190] {strides = array<i32>} : memref<512x128xf32, #tpu.memory_space<vmem>>, vector<1x16xf32>,
          %parallel_loop3A_192 = vector.shape_cast %parallel_loop3A_191 : vector<1x16xf32> to vector<16xf32>
          %parallel_loop3A_193 = arith.addf %parallel_loop3A_186, %parallel_loop3A_192 : vector<16xf32>
          %parallel_loop3A_194 = arith.index_cast %parallel_loop3A_166 : i32 to index
          %parallel_loop3A_195 = arith.constant 16 : index
          %parallel_loop3A_196 = tpu.vector_load %arg8[%parallel_loop3A_194, %parallel_loop3A_195] {strides = array<i32>} : memref<128x128xf32, #tpu.memory_space<vmem>>, vector<1x16xf32>,
          %parallel_loop3A_197 = vector.shape_cast %parallel_loop3A_196 : vector<1x16xf32> to vector<16xf32>
          %parallel_loop3A_198 = vector.shape_cast %parallel_loop3A_193 : vector<16xf32> to vector<1x16xf32>
          tpu.vector_store %arg8[%parallel_loop3A_194, %parallel_loop3A_195], %parallel_loop3A_198 {strides = array<i32>} : memref<128x128xf32, #tpu.memory_space<vmem>>, vector<1x16xf32>,
          %parallel_loop3A_199 = arith.index_cast %parallel_loop3A_166 : i32 to index
          %parallel_loop3A_200 = arith.constant 32 : index
          %parallel_loop3A_201 = tpu.vector_load %arg8[%parallel_loop3A_199, %parallel_loop3A_200] {strides = array<i32>} : memref<128x128xf32, #tpu.memory_space<vmem>>, vector<1x16xf32>,
          %parallel_loop3A_202 = vector.shape_cast %parallel_loop3A_201 : vector<1x16xf32> to vector<16xf32>
          %parallel_loop3A_203 = arith.constant 384 : i32
          %parallel_loop3A_204 = arith.addi %parallel_loop3A_203, %parallel_loop3A_166 : i32
          %parallel_loop3A_205 = arith.index_cast %parallel_loop3A_204 : i32 to index
          %parallel_loop3A_206 = arith.constant 32 : index
          %parallel_loop3A_207 = tpu.vector_load %arg11[%parallel_loop3A_205, %parallel_loop3A_206] {strides = array<i32>} : memref<512x128xf32, #tpu.memory_space<vmem>>, vector<1x16xf32>,
          %parallel_loop3A_208 = vector.shape_cast %parallel_loop3A_207 : vector<1x16xf32> to vector<16xf32>
          %parallel_loop3A_209 = arith.addf %parallel_loop3A_202, %parallel_loop3A_208 : vector<16xf32>
          %parallel_loop3A_210 = arith.index_cast %parallel_loop3A_166 : i32 to index
          %parallel_loop3A_211 = arith.constant 32 : index
          %parallel_loop3A_212 = tpu.vector_load %arg8[%parallel_loop3A_210, %parallel_loop3A_211] {strides = array<i32>} : memref<128x128xf32, #tpu.memory_space<vmem>>, vector<1x16xf32>,
          %parallel_loop3A_213 = vector.shape_cast %parallel_loop3A_212 : vector<1x16xf32> to vector<16xf32>
          %parallel_loop3A_214 = vector.shape_cast %parallel_loop3A_209 : vector<16xf32> to vector<1x16xf32>
          tpu.vector_store %arg8[%parallel_loop3A_210, %parallel_loop3A_211], %parallel_loop3A_214 {strides = array<i32>} : memref<128x128xf32, #tpu.memory_space<vmem>>, vector<1x16xf32>,
          %parallel_loop3A_215 = arith.index_cast %parallel_loop3A_166 : i32 to index
          %parallel_loop3A_216 = arith.constant 48 : index
          %parallel_loop3A_217 = tpu.vector_load %arg8[%parallel_loop3A_215, %parallel_loop3A_216] {strides = array<i32>} : memref<128x128xf32, #tpu.memory_space<vmem>>, vector<1x16xf32>,
          %parallel_loop3A_218 = vector.shape_cast %parallel_loop3A_217 : vector<1x16xf32> to vector<16xf32>
          %parallel_loop3A_219 = arith.constant 384 : i32
          %parallel_loop3A_220 = arith.addi %parallel_loop3A_219, %parallel_loop3A_166 : i32
          %parallel_loop3A_221 = arith.index_cast %parallel_loop3A_220 : i32 to index
          %parallel_loop3A_222 = arith.constant 48 : index
          %parallel_loop3A_223 = tpu.vector_load %arg11[%parallel_loop3A_221, %parallel_loop3A_222] {strides = array<i32>} : memref<512x128xf32, #tpu.memory_space<vmem>>, vector<1x16xf32>,
          %parallel_loop3A_224 = vector.shape_cast %parallel_loop3A_223 : vector<1x16xf32> to vector<16xf32>
          %parallel_loop3A_225 = arith.addf %parallel_loop3A_218, %parallel_loop3A_224 : vector<16xf32>
          %parallel_loop3A_226 = arith.index_cast %parallel_loop3A_166 : i32 to index
          %parallel_loop3A_227 = arith.constant 48 : index
          %parallel_loop3A_228 = tpu.vector_load %arg8[%parallel_loop3A_226, %parallel_loop3A_227] {strides = array<i32>} : memref<128x128xf32, #tpu.memory_space<vmem>>, vector<1x16xf32>,
          %parallel_loop3A_229 = vector.shape_cast %parallel_loop3A_228 : vector<1x16xf32> to vector<16xf32>
          %parallel_loop3A_230 = vector.shape_cast %parallel_loop3A_225 : vector<16xf32> to vector<1x16xf32>
          tpu.vector_store %arg8[%parallel_loop3A_226, %parallel_loop3A_227], %parallel_loop3A_230 {strides = array<i32>} : memref<128x128xf32, #tpu.memory_space<vmem>>, vector<1x16xf32>,
        } {sc.loop_unroll_factor = 4 : i64, sc.parallel_access}
        %dma_start3A_134 = arith.constant 384 : i32
        %dma_start3A_135 = arith.constant 0 : i32
        %dma_start3A_136 = tpu.memref_slice %arg5[%add3A_11, %dma_start3A_134, %dma_start3A_135] : memref<1024x512x128xf32, #tpu.memory_space<hbm>> -> memref<1x128x128xf32, #tpu.memory_space<hbm>>
        %dma_start3A_137 = tpu.memref_squeeze %dma_start3A_136 : memref<1x128x128xf32, #tpu.memory_space<hbm>> -> memref<128x128xf32, #tpu.memory_space<hbm>>
        %dma_start3A_138 = arith.constant 384 : i32
        %dma_start3A_139 = arith.constant 0 : i32
        %dma_start3A_140 = tpu.memref_slice %arg5[%add3A_11, %dma_start3A_138, %dma_start3A_139] : memref<1024x512x128xf32, #tpu.memory_space<hbm>> -> memref<1x128x128xf32, #tpu.memory_space<hbm>>
        %dma_start3A_141 = tpu.memref_squeeze %dma_start3A_140 : memref<1x128x128xf32, #tpu.memory_space<hbm>> -> memref<128x128xf32, #tpu.memory_space<hbm>>
        tpu.enqueue_dma source(%arg8 : memref<128x128xf32, #tpu.memory_space<vmem>>) target(%dma_start3A_141 : memref<128x128xf32, #tpu.memory_space<hbm>>) target_semaphore(%arg13 : memref<!tpu.dma_semaphore, #tpu.memory_space<semaphore_mem>>)
        %dma_wait3A_142 = arith.constant 128 : i32
        %dma_wait3A_143 = arith.constant 0 : i32
        %dma_wait3A_144 = tpu.memref_slice %arg5[%add3A_11, %dma_wait3A_142, %dma_wait3A_143] : memref<1024x512x128xf32, #tpu.memory_space<hbm>> -> memref<1x128x128xf32, #tpu.memory_space<hbm>>
        %dma_wait3A_145 = tpu.memref_squeeze %dma_wait3A_144 : memref<1x128x128xf32, #tpu.memory_space<hbm>> -> memref<128x128xf32, #tpu.memory_space<hbm>>
        %dma_wait3A_146 = arith.constant 128 : i32
        %dma_wait3A_147 = arith.constant 0 : i32
        %dma_wait3A_148 = tpu.memref_slice %arg5[%add3A_11, %dma_wait3A_146, %dma_wait3A_147] : memref<1024x512x128xf32, #tpu.memory_space<hbm>> -> memref<1x128x128xf32, #tpu.memory_space<hbm>>
        %dma_wait3A_149 = tpu.memref_squeeze %dma_wait3A_148 : memref<1x128x128xf32, #tpu.memory_space<hbm>> -> memref<128x128xf32, #tpu.memory_space<hbm>>
        tpu.wait_dma2 semaphore(%arg13 : memref<!tpu.dma_semaphore, #tpu.memory_space<semaphore_mem>>) src(%arg9 : memref<128x128xf32, #tpu.memory_space<vmem>>) dst(%dma_wait3A_149 : memref<128x128xf32, #tpu.memory_space<hbm>>)
        %dma_wait3A_150 = arith.constant 256 : i32
        %dma_wait3A_151 = arith.constant 0 : i32
        %dma_wait3A_152 = tpu.memref_slice %arg5[%add3A_11, %dma_wait3A_150, %dma_wait3A_151] : memref<1024x512x128xf32, #tpu.memory_space<hbm>> -> memref<1x128x128xf32, #tpu.memory_space<hbm>>
        %dma_wait3A_153 = tpu.memref_squeeze %dma_wait3A_152 : memref<1x128x128xf32, #tpu.memory_space<hbm>> -> memref<128x128xf32, #tpu.memory_space<hbm>>
        %dma_wait3A_154 = arith.constant 256 : i32
        %dma_wait3A_155 = arith.constant 0 : i32
        %dma_wait3A_156 = tpu.memref_slice %arg5[%add3A_11, %dma_wait3A_154, %dma_wait3A_155] : memref<1024x512x128xf32, #tpu.memory_space<hbm>> -> memref<1x128x128xf32, #tpu.memory_space<hbm>>
        %dma_wait3A_157 = tpu.memref_squeeze %dma_wait3A_156 : memref<1x128x128xf32, #tpu.memory_space<hbm>> -> memref<128x128xf32, #tpu.memory_space<hbm>>
        tpu.wait_dma2 semaphore(%arg13 : memref<!tpu.dma_semaphore, #tpu.memory_space<semaphore_mem>>) src(%arg10 : memref<128x128xf32, #tpu.memory_space<vmem>>) dst(%dma_wait3A_157 : memref<128x128xf32, #tpu.memory_space<hbm>>)
        %dma_wait3A_158 = arith.constant 384 : i32
        %dma_wait3A_159 = arith.constant 0 : i32
        %dma_wait3A_160 = tpu.memref_slice %arg5[%add3A_11, %dma_wait3A_158, %dma_wait3A_159] : memref<1024x512x128xf32, #tpu.memory_space<hbm>> -> memref<1x128x128xf32, #tpu.memory_space<hbm>>
        %dma_wait3A_161 = tpu.memref_squeeze %dma_wait3A_160 : memref<1x128x128xf32, #tpu.memory_space<hbm>> -> memref<128x128xf32, #tpu.memory_space<hbm>>
        %dma_wait3A_162 = arith.constant 384 : i32
        %dma_wait3A_163 = arith.constant 0 : i32
        %dma_wait3A_164 = tpu.memref_slice %arg5[%add3A_11, %dma_wait3A_162, %dma_wait3A_163] : memref<1024x512x128xf32, #tpu.memory_space<hbm>> -> memref<1x128x128xf32, #tpu.memory_space<hbm>>
        %dma_wait3A_165 = tpu.memref_squeeze %dma_wait3A_164 : memref<1x128x128xf32, #tpu.memory_space<hbm>> -> memref<128x128xf32, #tpu.memory_space<hbm>>
        tpu.wait_dma2 semaphore(%arg13 : memref<!tpu.dma_semaphore, #tpu.memory_space<semaphore_mem>>) src(%arg8 : memref<128x128xf32, #tpu.memory_space<vmem>>) dst(%dma_wait3A_165 : memref<128x128xf32, #tpu.memory_space<hbm>>)
      } else {
      }
      %jit3A_24 = arith.constant 2 : i32
      %eq3A_25 = arith.constant 0 : i32
      %eq3A_26 = arith.cmpi eq, %jit3A_24, %eq3A_25 : i32
      %jit3A_27 = arith.constant 1 : i32
      %select_n3A_28 = arith.select %eq3A_26, %jit3A_27, %jit3A_24 : i32
      %rem3A_29 = arith.remsi %scan3A_9, %select_n3A_28 : i32
      %ne3A_30 = arith.constant 0 : i32
      %ne3A_31 = arith.cmpi ne, %rem3A_29, %ne3A_30 : i32
      %lt3A_32 = arith.constant 0 : i32
      %lt3A_33 = arith.cmpi slt, %rem3A_29, %lt3A_32 : i32
      %lt3A_34 = arith.constant 0 : i32
      %lt3A_35 = arith.cmpi slt, %select_n3A_28, %lt3A_34 : i32
      %ne3A_36 = arith.xori %lt3A_33, %lt3A_35 : i1
      %and3A_37 = arith.andi %ne3A_36, %ne3A_31 : i1
      %add3A_38 = arith.addi %rem3A_29, %select_n3A_28 : i32
      %select_n3A_39 = arith.select %and3A_37, %add3A_38, %rem3A_29 : i32
      %eq3A_40 = arith.constant 1 : i32
      %eq3A_41 = arith.cmpi eq, %select_n3A_39, %eq3A_40 : i32
      %convert_element_type3A_42 = arith.extui %eq3A_41 : i1 to i32
      %cond3A_43 = arith.constant 0 : i32
      %cond3A_44 = arith.cmpi ne, %convert_element_type3A_42, %cond3A_43 : i32
      scf.if %cond3A_44 {
        %dma_start3A = arith.constant 0 : i32
        %dma_start3A_46 = tpu.memref_slice %arg7[%dma_start3A] : memref<512xi32, #tpu.memory_space<vmem>> -> memref<128xi32, #tpu.memory_space<vmem>>
        %dma_start3A_47 = arith.constant 0 : i32
        %dma_start3A_48 = arith.constant 0 : i32
        %dma_start3A_49 = tpu.memref_slice %arg3[%dma_start3A_47, %dma_start3A_48] : memref<1000000x128xf32, #tpu.memory_space<hbm>> -> memref<1000000x128xf32, #tpu.memory_space<hbm>>
        tpu.enqueue_indirect_dma source(%dma_start3A_49 : memref<1000000x128xf32, #tpu.memory_space<hbm>>) target(%arg8 : memref<128x128xf32, #tpu.memory_space<vmem>>) offsets(%dma_start3A_46 : memref<128xi32, #tpu.memory_space<vmem>>) semaphore(%arg12 : memref<!tpu.dma_semaphore, #tpu.memory_space<semaphore_mem>>)
        %dma_start3A_50 = arith.constant 128 : i32
        %dma_start3A_51 = tpu.memref_slice %arg7[%dma_start3A_50] : memref<512xi32, #tpu.memory_space<vmem>> -> memref<128xi32, #tpu.memory_space<vmem>>
        %dma_start3A_52 = arith.constant 0 : i32
        %dma_start3A_53 = arith.constant 0 : i32
        %dma_start3A_54 = tpu.memref_slice %arg3[%dma_start3A_52, %dma_start3A_53] : memref<1000000x128xf32, #tpu.memory_space<hbm>> -> memref<1000000x128xf32, #tpu.memory_space<hbm>>
        tpu.enqueue_indirect_dma source(%dma_start3A_54 : memref<1000000x128xf32, #tpu.memory_space<hbm>>) target(%arg9 : memref<128x128xf32, #tpu.memory_space<vmem>>) offsets(%dma_start3A_51 : memref<128xi32, #tpu.memory_space<vmem>>) semaphore(%arg12 : memref<!tpu.dma_semaphore, #tpu.memory_space<semaphore_mem>>)
        %dma_start3A_55 = arith.constant 256 : i32
        %dma_start3A_56 = tpu.memref_slice %arg7[%dma_start3A_55] : memref<512xi32, #tpu.memory_space<vmem>> -> memref<128xi32, #tpu.memory_space<vmem>>
        %dma_start3A_57 = arith.constant 0 : i32
        %dma_start3A_58 = arith.constant 0 : i32
        %dma_start3A_59 = tpu.memref_slice %arg3[%dma_start3A_57, %dma_start3A_58] : memref<1000000x128xf32, #tpu.memory_space<hbm>> -> memref<1000000x128xf32, #tpu.memory_space<hbm>>
        tpu.enqueue_indirect_dma source(%dma_start3A_59 : memref<1000000x128xf32, #tpu.memory_space<hbm>>) target(%arg10 : memref<128x128xf32, #tpu.memory_space<vmem>>) offsets(%dma_start3A_56 : memref<128xi32, #tpu.memory_space<vmem>>) semaphore(%arg12 : memref<!tpu.dma_semaphore, #tpu.memory_space<semaphore_mem>>)
        %add3A_60 = arith.constant 1 : i32
        %add3A_61 = arith.addi %scan3A_9, %add3A_60 : i32
        %lt3A_62 = arith.constant 32 : i32
        %lt3A_63 = arith.cmpi slt, %add3A_61, %lt3A_62 : i32
        %convert_element_type3A_64 = arith.extui %lt3A_63 : i1 to i32
        %cond3A_65 = arith.constant 0 : i32
        %cond3A_66 = arith.cmpi ne, %convert_element_type3A_64, %cond3A_65 : i32
        scf.if %cond3A_66 {
          %add3A_166 = arith.constant 1 : i32
          %add3A_167 = arith.addi %add3A_11, %add3A_166 : i32
          "tpu.region"() ({
            %run_scoped3A = tpu.sem_alloc : memref<!tpu.dma_semaphore, #tpu.memory_space<semaphore_mem>>
            %dma_start3A_168 = arith.constant 0 : i32
            %dma_start3A_169 = tpu.memref_slice %arg2[%add3A_167, %dma_start3A_168] : memref<1024x512xi32, #tpu.memory_space<hbm>> -> memref<1x512xi32, #tpu.memory_space<hbm>>
            %dma_start3A_170 = tpu.memref_squeeze %dma_start3A_169 : memref<1x512xi32, #tpu.memory_space<hbm>> -> memref<512xi32, #tpu.memory_space<hbm>>
            %dma_start3A_171 = arith.constant 0 : i32
            %dma_start3A_172 = tpu.memref_slice %arg2[%add3A_167, %dma_start3A_171] : memref<1024x512xi32, #tpu.memory_space<hbm>> -> memref<1x512xi32, #tpu.memory_space<hbm>>
            %dma_start3A_173 = tpu.memref_squeeze %dma_start3A_172 : memref<1x512xi32, #tpu.memory_space<hbm>> -> memref<512xi32, #tpu.memory_space<hbm>>
            tpu.enqueue_dma source(%dma_start3A_173 : memref<512xi32, #tpu.memory_space<hbm>>) target(%arg6 : memref<512xi32, #tpu.memory_space<vmem>>) target_semaphore(%run_scoped3A : memref<!tpu.dma_semaphore, #tpu.memory_space<semaphore_mem>>)
            %dma_wait3A_174 = arith.constant 0 : i32
            %dma_wait3A_175 = tpu.memref_slice %arg2[%add3A_167, %dma_wait3A_174] : memref<1024x512xi32, #tpu.memory_space<hbm>> -> memref<1x512xi32, #tpu.memory_space<hbm>>
            %dma_wait3A_176 = tpu.memref_squeeze %dma_wait3A_175 : memref<1x512xi32, #tpu.memory_space<hbm>> -> memref<512xi32, #tpu.memory_space<hbm>>
            %dma_wait3A_177 = arith.constant 0 : i32
            %dma_wait3A_178 = tpu.memref_slice %arg2[%add3A_167, %dma_wait3A_177] : memref<1024x512xi32, #tpu.memory_space<hbm>> -> memref<1x512xi32, #tpu.memory_space<hbm>>
            %dma_wait3A_179 = tpu.memref_squeeze %dma_wait3A_178 : memref<1x512xi32, #tpu.memory_space<hbm>> -> memref<512xi32, #tpu.memory_space<hbm>>
            tpu.wait_dma2 semaphore(%run_scoped3A : memref<!tpu.dma_semaphore, #tpu.memory_space<semaphore_mem>>) src(%dma_wait3A_179 : memref<512xi32, #tpu.memory_space<hbm>>) dst(%arg6 : memref<512xi32, #tpu.memory_space<vmem>>)
            tpu.yield
          }) : () -> ()
        } else {
        }
        %dma_wait3A = arith.constant 0 : i32
        %dma_wait3A_67 = tpu.memref_slice %arg7[%dma_wait3A] : memref<512xi32, #tpu.memory_space<vmem>> -> memref<128xi32, #tpu.memory_space<vmem>>
        %dma_wait3A_68 = arith.constant 0 : i32
        %dma_wait3A_69 = arith.constant 0 : i32
        %dma_wait3A_70 = tpu.memref_slice %arg3[%dma_wait3A_68, %dma_wait3A_69] : memref<1000000x128xf32, #tpu.memory_space<hbm>> -> memref<1000000x128xf32, #tpu.memory_space<hbm>>
        tpu.wait_indirect_dma semaphore(%arg12 : memref<!tpu.dma_semaphore, #tpu.memory_space<semaphore_mem>>) src(%dma_wait3A_70 : memref<1000000x128xf32, #tpu.memory_space<hbm>>) dst(%arg8 : memref<128x128xf32, #tpu.memory_space<vmem>>)
        %parallel_loop3A = arith.constant 0 : i32
        %parallel_loop3A_71 = arith.constant 128 : i32
        %parallel_loop3A_72 = arith.constant 1 : i32
        scf.for %parallel_loop3A_166 = %parallel_loop3A to %parallel_loop3A_71 step %parallel_loop3A_72  : i32 {
          %parallel_loop3A_167 = arith.index_cast %parallel_loop3A_166 : i32 to index
          %parallel_loop3A_168 = arith.constant 0 : index
          %parallel_loop3A_169 = tpu.vector_load %arg8[%parallel_loop3A_167, %parallel_loop3A_168] {strides = array<i32>} : memref<128x128xf32, #tpu.memory_space<vmem>>, vector<1x16xf32>,
          %parallel_loop3A_170 = vector.shape_cast %parallel_loop3A_169 : vector<1x16xf32> to vector<16xf32>
          %parallel_loop3A_171 = arith.constant 0 : i32
          %parallel_loop3A_172 = arith.addi %parallel_loop3A_171, %parallel_loop3A_166 : i32
          %parallel_loop3A_173 = arith.index_cast %parallel_loop3A_172 : i32 to index
          %parallel_loop3A_174 = arith.constant 0 : index
          %parallel_loop3A_175 = tpu.vector_load %arg11[%parallel_loop3A_173, %parallel_loop3A_174] {strides = array<i32>} : memref<512x128xf32, #tpu.memory_space<vmem>>, vector<1x16xf32>,
          %parallel_loop3A_176 = vector.shape_cast %parallel_loop3A_175 : vector<1x16xf32> to vector<16xf32>
          %parallel_loop3A_177 = arith.addf %parallel_loop3A_170, %parallel_loop3A_176 : vector<16xf32>
          %parallel_loop3A_178 = arith.index_cast %parallel_loop3A_166 : i32 to index
          %parallel_loop3A_179 = arith.constant 0 : index
          %parallel_loop3A_180 = tpu.vector_load %arg8[%parallel_loop3A_178, %parallel_loop3A_179] {strides = array<i32>} : memref<128x128xf32, #tpu.memory_space<vmem>>, vector<1x16xf32>,
          %parallel_loop3A_181 = vector.shape_cast %parallel_loop3A_180 : vector<1x16xf32> to vector<16xf32>
          %parallel_loop3A_182 = vector.shape_cast %parallel_loop3A_177 : vector<16xf32> to vector<1x16xf32>
          tpu.vector_store %arg8[%parallel_loop3A_178, %parallel_loop3A_179], %parallel_loop3A_182 {strides = array<i32>} : memref<128x128xf32, #tpu.memory_space<vmem>>, vector<1x16xf32>,
          %parallel_loop3A_183 = arith.index_cast %parallel_loop3A_166 : i32 to index
          %parallel_loop3A_184 = arith.constant 16 : index
          %parallel_loop3A_185 = tpu.vector_load %arg8[%parallel_loop3A_183, %parallel_loop3A_184] {strides = array<i32>} : memref<128x128xf32, #tpu.memory_space<vmem>>, vector<1x16xf32>,
          %parallel_loop3A_186 = vector.shape_cast %parallel_loop3A_185 : vector<1x16xf32> to vector<16xf32>
          %parallel_loop3A_187 = arith.constant 0 : i32
          %parallel_loop3A_188 = arith.addi %parallel_loop3A_187, %parallel_loop3A_166 : i32
          %parallel_loop3A_189 = arith.index_cast %parallel_loop3A_188 : i32 to index
          %parallel_loop3A_190 = arith.constant 16 : index
          %parallel_loop3A_191 = tpu.vector_load %arg11[%parallel_loop3A_189, %parallel_loop3A_190] {strides = array<i32>} : memref<512x128xf32, #tpu.memory_space<vmem>>, vector<1x16xf32>,
          %parallel_loop3A_192 = vector.shape_cast %parallel_loop3A_191 : vector<1x16xf32> to vector<16xf32>
          %parallel_loop3A_193 = arith.addf %parallel_loop3A_186, %parallel_loop3A_192 : vector<16xf32>
          %parallel_loop3A_194 = arith.index_cast %parallel_loop3A_166 : i32 to index
          %parallel_loop3A_195 = arith.constant 16 : index
          %parallel_loop3A_196 = tpu.vector_load %arg8[%parallel_loop3A_194, %parallel_loop3A_195] {strides = array<i32>} : memref<128x128xf32, #tpu.memory_space<vmem>>, vector<1x16xf32>,
          %parallel_loop3A_197 = vector.shape_cast %parallel_loop3A_196 : vector<1x16xf32> to vector<16xf32>
          %parallel_loop3A_198 = vector.shape_cast %parallel_loop3A_193 : vector<16xf32> to vector<1x16xf32>
          tpu.vector_store %arg8[%parallel_loop3A_194, %parallel_loop3A_195], %parallel_loop3A_198 {strides = array<i32>} : memref<128x128xf32, #tpu.memory_space<vmem>>, vector<1x16xf32>,
          %parallel_loop3A_199 = arith.index_cast %parallel_loop3A_166 : i32 to index
          %parallel_loop3A_200 = arith.constant 32 : index
          %parallel_loop3A_201 = tpu.vector_load %arg8[%parallel_loop3A_199, %parallel_loop3A_200] {strides = array<i32>} : memref<128x128xf32, #tpu.memory_space<vmem>>, vector<1x16xf32>,
          %parallel_loop3A_202 = vector.shape_cast %parallel_loop3A_201 : vector<1x16xf32> to vector<16xf32>
          %parallel_loop3A_203 = arith.constant 0 : i32
          %parallel_loop3A_204 = arith.addi %parallel_loop3A_203, %parallel_loop3A_166 : i32
          %parallel_loop3A_205 = arith.index_cast %parallel_loop3A_204 : i32 to index
          %parallel_loop3A_206 = arith.constant 32 : index
          %parallel_loop3A_207 = tpu.vector_load %arg11[%parallel_loop3A_205, %parallel_loop3A_206] {strides = array<i32>} : memref<512x128xf32, #tpu.memory_space<vmem>>, vector<1x16xf32>,
          %parallel_loop3A_208 = vector.shape_cast %parallel_loop3A_207 : vector<1x16xf32> to vector<16xf32>
          %parallel_loop3A_209 = arith.addf %parallel_loop3A_202, %parallel_loop3A_208 : vector<16xf32>
          %parallel_loop3A_210 = arith.index_cast %parallel_loop3A_166 : i32 to index
          %parallel_loop3A_211 = arith.constant 32 : index
          %parallel_loop3A_212 = tpu.vector_load %arg8[%parallel_loop3A_210, %parallel_loop3A_211] {strides = array<i32>} : memref<128x128xf32, #tpu.memory_space<vmem>>, vector<1x16xf32>,
          %parallel_loop3A_213 = vector.shape_cast %parallel_loop3A_212 : vector<1x16xf32> to vector<16xf32>
          %parallel_loop3A_214 = vector.shape_cast %parallel_loop3A_209 : vector<16xf32> to vector<1x16xf32>
          tpu.vector_store %arg8[%parallel_loop3A_210, %parallel_loop3A_211], %parallel_loop3A_214 {strides = array<i32>} : memref<128x128xf32, #tpu.memory_space<vmem>>, vector<1x16xf32>,
          %parallel_loop3A_215 = arith.index_cast %parallel_loop3A_166 : i32 to index
          %parallel_loop3A_216 = arith.constant 48 : index
          %parallel_loop3A_217 = tpu.vector_load %arg8[%parallel_loop3A_215, %parallel_loop3A_216] {strides = array<i32>} : memref<128x128xf32, #tpu.memory_space<vmem>>, vector<1x16xf32>,
          %parallel_loop3A_218 = vector.shape_cast %parallel_loop3A_217 : vector<1x16xf32> to vector<16xf32>
          %parallel_loop3A_219 = arith.constant 0 : i32
          %parallel_loop3A_220 = arith.addi %parallel_loop3A_219, %parallel_loop3A_166 : i32
          %parallel_loop3A_221 = arith.index_cast %parallel_loop3A_220 : i32 to index
          %parallel_loop3A_222 = arith.constant 48 : index
          %parallel_loop3A_223 = tpu.vector_load %arg11[%parallel_loop3A_221, %parallel_loop3A_222] {strides = array<i32>} : memref<512x128xf32, #tpu.memory_space<vmem>>, vector<1x16xf32>,
          %parallel_loop3A_224 = vector.shape_cast %parallel_loop3A_223 : vector<1x16xf32> to vector<16xf32>
          %parallel_loop3A_225 = arith.addf %parallel_loop3A_218, %parallel_loop3A_224 : vector<16xf32>
          %parallel_loop3A_226 = arith.index_cast %parallel_loop3A_166 : i32 to index
          %parallel_loop3A_227 = arith.constant 48 : index
          %parallel_loop3A_228 = tpu.vector_load %arg8[%parallel_loop3A_226, %parallel_loop3A_227] {strides = array<i32>} : memref<128x128xf32, #tpu.memory_space<vmem>>, vector<1x16xf32>,
          %parallel_loop3A_229 = vector.shape_cast %parallel_loop3A_228 : vector<1x16xf32> to vector<16xf32>
          %parallel_loop3A_230 = vector.shape_cast %parallel_loop3A_225 : vector<16xf32> to vector<1x16xf32>
          tpu.vector_store %arg8[%parallel_loop3A_226, %parallel_loop3A_227], %parallel_loop3A_230 {strides = array<i32>} : memref<128x128xf32, #tpu.memory_space<vmem>>, vector<1x16xf32>,
        } {sc.loop_unroll_factor = 4 : i64, sc.parallel_access}
        %dma_start3A_73 = arith.constant 0 : i32
        %dma_start3A_74 = arith.constant 0 : i32
        %dma_start3A_75 = tpu.memref_slice %arg5[%add3A_11, %dma_start3A_73, %dma_start3A_74] : memref<1024x512x128xf32, #tpu.memory_space<hbm>> -> memref<1x128x128xf32, #tpu.memory_space<hbm>>
        %dma_start3A_76 = tpu.memref_squeeze %dma_start3A_75 : memref<1x128x128xf32, #tpu.memory_space<hbm>> -> memref<128x128xf32, #tpu.memory_space<hbm>>
        %dma_start3A_77 = arith.constant 0 : i32
        %dma_start3A_78 = arith.constant 0 : i32
        %dma_start3A_79 = tpu.memref_slice %arg5[%add3A_11, %dma_start3A_77, %dma_start3A_78] : memref<1024x512x128xf32, #tpu.memory_space<hbm>> -> memref<1x128x128xf32, #tpu.memory_space<hbm>>
        %dma_start3A_80 = tpu.memref_squeeze %dma_start3A_79 : memref<1x128x128xf32, #tpu.memory_space<hbm>> -> memref<128x128xf32, #tpu.memory_space<hbm>>
        tpu.enqueue_dma source(%arg8 : memref<128x128xf32, #tpu.memory_space<vmem>>) target(%dma_start3A_80 : memref<128x128xf32, #tpu.memory_space<hbm>>) target_semaphore(%arg13 : memref<!tpu.dma_semaphore, #tpu.memory_space<semaphore_mem>>)
        %dma_wait3A_81 = arith.constant 128 : i32
        %dma_wait3A_82 = tpu.memref_slice %arg7[%dma_wait3A_81] : memref<512xi32, #tpu.memory_space<vmem>> -> memref<128xi32, #tpu.memory_space<vmem>>
        %dma_wait3A_83 = arith.constant 0 : i32
        %dma_wait3A_84 = arith.constant 0 : i32
        %dma_wait3A_85 = tpu.memref_slice %arg3[%dma_wait3A_83, %dma_wait3A_84] : memref<1000000x128xf32, #tpu.memory_space<hbm>> -> memref<1000000x128xf32, #tpu.memory_space<hbm>>
        tpu.wait_indirect_dma semaphore(%arg12 : memref<!tpu.dma_semaphore, #tpu.memory_space<semaphore_mem>>) src(%dma_wait3A_85 : memref<1000000x128xf32, #tpu.memory_space<hbm>>) dst(%arg9 : memref<128x128xf32, #tpu.memory_space<vmem>>)
        %parallel_loop3A_86 = arith.constant 0 : i32
        %parallel_loop3A_87 = arith.constant 128 : i32
        %parallel_loop3A_88 = arith.constant 1 : i32
        scf.for %parallel_loop3A_166 = %parallel_loop3A_86 to %parallel_loop3A_87 step %parallel_loop3A_88  : i32 {
          %parallel_loop3A_167 = arith.index_cast %parallel_loop3A_166 : i32 to index
          %parallel_loop3A_168 = arith.constant 0 : index
          %parallel_loop3A_169 = tpu.vector_load %arg9[%parallel_loop3A_167, %parallel_loop3A_168] {strides = array<i32>} : memref<128x128xf32, #tpu.memory_space<vmem>>, vector<1x16xf32>,
          %parallel_loop3A_170 = vector.shape_cast %parallel_loop3A_169 : vector<1x16xf32> to vector<16xf32>
          %parallel_loop3A_171 = arith.constant 128 : i32
          %parallel_loop3A_172 = arith.addi %parallel_loop3A_171, %parallel_loop3A_166 : i32
          %parallel_loop3A_173 = arith.index_cast %parallel_loop3A_172 : i32 to index
          %parallel_loop3A_174 = arith.constant 0 : index
          %parallel_loop3A_175 = tpu.vector_load %arg11[%parallel_loop3A_173, %parallel_loop3A_174] {strides = array<i32>} : memref<512x128xf32, #tpu.memory_space<vmem>>, vector<1x16xf32>,
          %parallel_loop3A_176 = vector.shape_cast %parallel_loop3A_175 : vector<1x16xf32> to vector<16xf32>
          %parallel_loop3A_177 = arith.addf %parallel_loop3A_170, %parallel_loop3A_176 : vector<16xf32>
          %parallel_loop3A_178 = arith.index_cast %parallel_loop3A_166 : i32 to index
          %parallel_loop3A_179 = arith.constant 0 : index
          %parallel_loop3A_180 = tpu.vector_load %arg9[%parallel_loop3A_178, %parallel_loop3A_179] {strides = array<i32>} : memref<128x128xf32, #tpu.memory_space<vmem>>, vector<1x16xf32>,
          %parallel_loop3A_181 = vector.shape_cast %parallel_loop3A_180 : vector<1x16xf32> to vector<16xf32>
          %parallel_loop3A_182 = vector.shape_cast %parallel_loop3A_177 : vector<16xf32> to vector<1x16xf32>
          tpu.vector_store %arg9[%parallel_loop3A_178, %parallel_loop3A_179], %parallel_loop3A_182 {strides = array<i32>} : memref<128x128xf32, #tpu.memory_space<vmem>>, vector<1x16xf32>,
          %parallel_loop3A_183 = arith.index_cast %parallel_loop3A_166 : i32 to index
          %parallel_loop3A_184 = arith.constant 16 : index
          %parallel_loop3A_185 = tpu.vector_load %arg9[%parallel_loop3A_183, %parallel_loop3A_184] {strides = array<i32>} : memref<128x128xf32, #tpu.memory_space<vmem>>, vector<1x16xf32>,
          %parallel_loop3A_186 = vector.shape_cast %parallel_loop3A_185 : vector<1x16xf32> to vector<16xf32>
          %parallel_loop3A_187 = arith.constant 128 : i32
          %parallel_loop3A_188 = arith.addi %parallel_loop3A_187, %parallel_loop3A_166 : i32
          %parallel_loop3A_189 = arith.index_cast %parallel_loop3A_188 : i32 to index
          %parallel_loop3A_190 = arith.constant 16 : index
          %parallel_loop3A_191 = tpu.vector_load %arg11[%parallel_loop3A_189, %parallel_loop3A_190] {strides = array<i32>} : memref<512x128xf32, #tpu.memory_space<vmem>>, vector<1x16xf32>,
          %parallel_loop3A_192 = vector.shape_cast %parallel_loop3A_191 : vector<1x16xf32> to vector<16xf32>
          %parallel_loop3A_193 = arith.addf %parallel_loop3A_186, %parallel_loop3A_192 : vector<16xf32>
          %parallel_loop3A_194 = arith.index_cast %parallel_loop3A_166 : i32 to index
          %parallel_loop3A_195 = arith.constant 16 : index
          %parallel_loop3A_196 = tpu.vector_load %arg9[%parallel_loop3A_194, %parallel_loop3A_195] {strides = array<i32>} : memref<128x128xf32, #tpu.memory_space<vmem>>, vector<1x16xf32>,
          %parallel_loop3A_197 = vector.shape_cast %parallel_loop3A_196 : vector<1x16xf32> to vector<16xf32>
          %parallel_loop3A_198 = vector.shape_cast %parallel_loop3A_193 : vector<16xf32> to vector<1x16xf32>
          tpu.vector_store %arg9[%parallel_loop3A_194, %parallel_loop3A_195], %parallel_loop3A_198 {strides = array<i32>} : memref<128x128xf32, #tpu.memory_space<vmem>>, vector<1x16xf32>,
          %parallel_loop3A_199 = arith.index_cast %parallel_loop3A_166 : i32 to index
          %parallel_loop3A_200 = arith.constant 32 : index
          %parallel_loop3A_201 = tpu.vector_load %arg9[%parallel_loop3A_199, %parallel_loop3A_200] {strides = array<i32>} : memref<128x128xf32, #tpu.memory_space<vmem>>, vector<1x16xf32>,
          %parallel_loop3A_202 = vector.shape_cast %parallel_loop3A_201 : vector<1x16xf32> to vector<16xf32>
          %parallel_loop3A_203 = arith.constant 128 : i32
          %parallel_loop3A_204 = arith.addi %parallel_loop3A_203, %parallel_loop3A_166 : i32
          %parallel_loop3A_205 = arith.index_cast %parallel_loop3A_204 : i32 to index
          %parallel_loop3A_206 = arith.constant 32 : index
          %parallel_loop3A_207 = tpu.vector_load %arg11[%parallel_loop3A_205, %parallel_loop3A_206] {strides = array<i32>} : memref<512x128xf32, #tpu.memory_space<vmem>>, vector<1x16xf32>,
          %parallel_loop3A_208 = vector.shape_cast %parallel_loop3A_207 : vector<1x16xf32> to vector<16xf32>
          %parallel_loop3A_209 = arith.addf %parallel_loop3A_202, %parallel_loop3A_208 : vector<16xf32>
          %parallel_loop3A_210 = arith.index_cast %parallel_loop3A_166 : i32 to index
          %parallel_loop3A_211 = arith.constant 32 : index
          %parallel_loop3A_212 = tpu.vector_load %arg9[%parallel_loop3A_210, %parallel_loop3A_211] {strides = array<i32>} : memref<128x128xf32, #tpu.memory_space<vmem>>, vector<1x16xf32>,
          %parallel_loop3A_213 = vector.shape_cast %parallel_loop3A_212 : vector<1x16xf32> to vector<16xf32>
          %parallel_loop3A_214 = vector.shape_cast %parallel_loop3A_209 : vector<16xf32> to vector<1x16xf32>
          tpu.vector_store %arg9[%parallel_loop3A_210, %parallel_loop3A_211], %parallel_loop3A_214 {strides = array<i32>} : memref<128x128xf32, #tpu.memory_space<vmem>>, vector<1x16xf32>,
          %parallel_loop3A_215 = arith.index_cast %parallel_loop3A_166 : i32 to index
          %parallel_loop3A_216 = arith.constant 48 : index
          %parallel_loop3A_217 = tpu.vector_load %arg9[%parallel_loop3A_215, %parallel_loop3A_216] {strides = array<i32>} : memref<128x128xf32, #tpu.memory_space<vmem>>, vector<1x16xf32>,
          %parallel_loop3A_218 = vector.shape_cast %parallel_loop3A_217 : vector<1x16xf32> to vector<16xf32>
          %parallel_loop3A_219 = arith.constant 128 : i32
          %parallel_loop3A_220 = arith.addi %parallel_loop3A_219, %parallel_loop3A_166 : i32
          %parallel_loop3A_221 = arith.index_cast %parallel_loop3A_220 : i32 to index
          %parallel_loop3A_222 = arith.constant 48 : index
          %parallel_loop3A_223 = tpu.vector_load %arg11[%parallel_loop3A_221, %parallel_loop3A_222] {strides = array<i32>} : memref<512x128xf32, #tpu.memory_space<vmem>>, vector<1x16xf32>,
          %parallel_loop3A_224 = vector.shape_cast %parallel_loop3A_223 : vector<1x16xf32> to vector<16xf32>
          %parallel_loop3A_225 = arith.addf %parallel_loop3A_218, %parallel_loop3A_224 : vector<16xf32>
          %parallel_loop3A_226 = arith.index_cast %parallel_loop3A_166 : i32 to index
          %parallel_loop3A_227 = arith.constant 48 : index
          %parallel_loop3A_228 = tpu.vector_load %arg9[%parallel_loop3A_226, %parallel_loop3A_227] {strides = array<i32>} : memref<128x128xf32, #tpu.memory_space<vmem>>, vector<1x16xf32>,
          %parallel_loop3A_229 = vector.shape_cast %parallel_loop3A_228 : vector<1x16xf32> to vector<16xf32>
          %parallel_loop3A_230 = vector.shape_cast %parallel_loop3A_225 : vector<16xf32> to vector<1x16xf32>
          tpu.vector_store %arg9[%parallel_loop3A_226, %parallel_loop3A_227], %parallel_loop3A_230 {strides = array<i32>} : memref<128x128xf32, #tpu.memory_space<vmem>>, vector<1x16xf32>,
        } {sc.loop_unroll_factor = 4 : i64, sc.parallel_access}
        %dma_start3A_89 = arith.constant 128 : i32
        %dma_start3A_90 = arith.constant 0 : i32
        %dma_start3A_91 = tpu.memref_slice %arg5[%add3A_11, %dma_start3A_89, %dma_start3A_90] : memref<1024x512x128xf32, #tpu.memory_space<hbm>> -> memref<1x128x128xf32, #tpu.memory_space<hbm>>
        %dma_start3A_92 = tpu.memref_squeeze %dma_start3A_91 : memref<1x128x128xf32, #tpu.memory_space<hbm>> -> memref<128x128xf32, #tpu.memory_space<hbm>>
        %dma_start3A_93 = arith.constant 128 : i32
        %dma_start3A_94 = arith.constant 0 : i32
        %dma_start3A_95 = tpu.memref_slice %arg5[%add3A_11, %dma_start3A_93, %dma_start3A_94] : memref<1024x512x128xf32, #tpu.memory_space<hbm>> -> memref<1x128x128xf32, #tpu.memory_space<hbm>>
        %dma_start3A_96 = tpu.memref_squeeze %dma_start3A_95 : memref<1x128x128xf32, #tpu.memory_space<hbm>> -> memref<128x128xf32, #tpu.memory_space<hbm>>
        tpu.enqueue_dma source(%arg9 : memref<128x128xf32, #tpu.memory_space<vmem>>) target(%dma_start3A_96 : memref<128x128xf32, #tpu.memory_space<hbm>>) target_semaphore(%arg13 : memref<!tpu.dma_semaphore, #tpu.memory_space<semaphore_mem>>)
        %dma_wait3A_97 = arith.constant 0 : i32
        %dma_wait3A_98 = arith.constant 0 : i32
        %dma_wait3A_99 = tpu.memref_slice %arg5[%add3A_11, %dma_wait3A_97, %dma_wait3A_98] : memref<1024x512x128xf32, #tpu.memory_space<hbm>> -> memref<1x128x128xf32, #tpu.memory_space<hbm>>
        %dma_wait3A_100 = tpu.memref_squeeze %dma_wait3A_99 : memref<1x128x128xf32, #tpu.memory_space<hbm>> -> memref<128x128xf32, #tpu.memory_space<hbm>>
        %dma_wait3A_101 = arith.constant 0 : i32
        %dma_wait3A_102 = arith.constant 0 : i32
        %dma_wait3A_103 = tpu.memref_slice %arg5[%add3A_11, %dma_wait3A_101, %dma_wait3A_102] : memref<1024x512x128xf32, #tpu.memory_space<hbm>> -> memref<1x128x128xf32, #tpu.memory_space<hbm>>
        %dma_wait3A_104 = tpu.memref_squeeze %dma_wait3A_103 : memref<1x128x128xf32, #tpu.memory_space<hbm>> -> memref<128x128xf32, #tpu.memory_space<hbm>>
        tpu.wait_dma2 semaphore(%arg13 : memref<!tpu.dma_semaphore, #tpu.memory_space<semaphore_mem>>) src(%arg8 : memref<128x128xf32, #tpu.memory_space<vmem>>) dst(%dma_wait3A_104 : memref<128x128xf32, #tpu.memory_space<hbm>>)
        %dma_start3A_105 = arith.constant 384 : i32
        %dma_start3A_106 = tpu.memref_slice %arg7[%dma_start3A_105] : memref<512xi32, #tpu.memory_space<vmem>> -> memref<128xi32, #tpu.memory_space<vmem>>
        %dma_start3A_107 = arith.constant 0 : i32
        %dma_start3A_108 = arith.constant 0 : i32
        %dma_start3A_109 = tpu.memref_slice %arg3[%dma_start3A_107, %dma_start3A_108] : memref<1000000x128xf32, #tpu.memory_space<hbm>> -> memref<1000000x128xf32, #tpu.memory_space<hbm>>
        tpu.enqueue_indirect_dma source(%dma_start3A_109 : memref<1000000x128xf32, #tpu.memory_space<hbm>>) target(%arg8 : memref<128x128xf32, #tpu.memory_space<vmem>>) offsets(%dma_start3A_106 : memref<128xi32, #tpu.memory_space<vmem>>) semaphore(%arg12 : memref<!tpu.dma_semaphore, #tpu.memory_space<semaphore_mem>>)
        %dma_wait3A_110 = arith.constant 256 : i32
        %dma_wait3A_111 = tpu.memref_slice %arg7[%dma_wait3A_110] : memref<512xi32, #tpu.memory_space<vmem>> -> memref<128xi32, #tpu.memory_space<vmem>>
        %dma_wait3A_112 = arith.constant 0 : i32
        %dma_wait3A_113 = arith.constant 0 : i32
        %dma_wait3A_114 = tpu.memref_slice %arg3[%dma_wait3A_112, %dma_wait3A_113] : memref<1000000x128xf32, #tpu.memory_space<hbm>> -> memref<1000000x128xf32, #tpu.memory_space<hbm>>
        tpu.wait_indirect_dma semaphore(%arg12 : memref<!tpu.dma_semaphore, #tpu.memory_space<semaphore_mem>>) src(%dma_wait3A_114 : memref<1000000x128xf32, #tpu.memory_space<hbm>>) dst(%arg10 : memref<128x128xf32, #tpu.memory_space<vmem>>)
        %parallel_loop3A_115 = arith.constant 0 : i32
        %parallel_loop3A_116 = arith.constant 128 : i32
        %parallel_loop3A_117 = arith.constant 1 : i32
        scf.for %parallel_loop3A_166 = %parallel_loop3A_115 to %parallel_loop3A_116 step %parallel_loop3A_117  : i32 {
          %parallel_loop3A_167 = arith.index_cast %parallel_loop3A_166 : i32 to index
          %parallel_loop3A_168 = arith.constant 0 : index
          %parallel_loop3A_169 = tpu.vector_load %arg10[%parallel_loop3A_167, %parallel_loop3A_168] {strides = array<i32>} : memref<128x128xf32, #tpu.memory_space<vmem>>, vector<1x16xf32>,
          %parallel_loop3A_170 = vector.shape_cast %parallel_loop3A_169 : vector<1x16xf32> to vector<16xf32>
          %parallel_loop3A_171 = arith.constant 256 : i32
          %parallel_loop3A_172 = arith.addi %parallel_loop3A_171, %parallel_loop3A_166 : i32
          %parallel_loop3A_173 = arith.index_cast %parallel_loop3A_172 : i32 to index
          %parallel_loop3A_174 = arith.constant 0 : index
          %parallel_loop3A_175 = tpu.vector_load %arg11[%parallel_loop3A_173, %parallel_loop3A_174] {strides = array<i32>} : memref<512x128xf32, #tpu.memory_space<vmem>>, vector<1x16xf32>,
          %parallel_loop3A_176 = vector.shape_cast %parallel_loop3A_175 : vector<1x16xf32> to vector<16xf32>
          %parallel_loop3A_177 = arith.addf %parallel_loop3A_170, %parallel_loop3A_176 : vector<16xf32>
          %parallel_loop3A_178 = arith.index_cast %parallel_loop3A_166 : i32 to index
          %parallel_loop3A_179 = arith.constant 0 : index
          %parallel_loop3A_180 = tpu.vector_load %arg10[%parallel_loop3A_178, %parallel_loop3A_179] {strides = array<i32>} : memref<128x128xf32, #tpu.memory_space<vmem>>, vector<1x16xf32>,
          %parallel_loop3A_181 = vector.shape_cast %parallel_loop3A_180 : vector<1x16xf32> to vector<16xf32>
          %parallel_loop3A_182 = vector.shape_cast %parallel_loop3A_177 : vector<16xf32> to vector<1x16xf32>
          tpu.vector_store %arg10[%parallel_loop3A_178, %parallel_loop3A_179], %parallel_loop3A_182 {strides = array<i32>} : memref<128x128xf32, #tpu.memory_space<vmem>>, vector<1x16xf32>,
          %parallel_loop3A_183 = arith.index_cast %parallel_loop3A_166 : i32 to index
          %parallel_loop3A_184 = arith.constant 16 : index
          %parallel_loop3A_185 = tpu.vector_load %arg10[%parallel_loop3A_183, %parallel_loop3A_184] {strides = array<i32>} : memref<128x128xf32, #tpu.memory_space<vmem>>, vector<1x16xf32>,
          %parallel_loop3A_186 = vector.shape_cast %parallel_loop3A_185 : vector<1x16xf32> to vector<16xf32>
          %parallel_loop3A_187 = arith.constant 256 : i32
          %parallel_loop3A_188 = arith.addi %parallel_loop3A_187, %parallel_loop3A_166 : i32
          %parallel_loop3A_189 = arith.index_cast %parallel_loop3A_188 : i32 to index
          %parallel_loop3A_190 = arith.constant 16 : index
          %parallel_loop3A_191 = tpu.vector_load %arg11[%parallel_loop3A_189, %parallel_loop3A_190] {strides = array<i32>} : memref<512x128xf32, #tpu.memory_space<vmem>>, vector<1x16xf32>,
          %parallel_loop3A_192 = vector.shape_cast %parallel_loop3A_191 : vector<1x16xf32> to vector<16xf32>
          %parallel_loop3A_193 = arith.addf %parallel_loop3A_186, %parallel_loop3A_192 : vector<16xf32>
          %parallel_loop3A_194 = arith.index_cast %parallel_loop3A_166 : i32 to index
          %parallel_loop3A_195 = arith.constant 16 : index
          %parallel_loop3A_196 = tpu.vector_load %arg10[%parallel_loop3A_194, %parallel_loop3A_195] {strides = array<i32>} : memref<128x128xf32, #tpu.memory_space<vmem>>, vector<1x16xf32>,
          %parallel_loop3A_197 = vector.shape_cast %parallel_loop3A_196 : vector<1x16xf32> to vector<16xf32>
          %parallel_loop3A_198 = vector.shape_cast %parallel_loop3A_193 : vector<16xf32> to vector<1x16xf32>
          tpu.vector_store %arg10[%parallel_loop3A_194, %parallel_loop3A_195], %parallel_loop3A_198 {strides = array<i32>} : memref<128x128xf32, #tpu.memory_space<vmem>>, vector<1x16xf32>,
          %parallel_loop3A_199 = arith.index_cast %parallel_loop3A_166 : i32 to index
          %parallel_loop3A_200 = arith.constant 32 : index
          %parallel_loop3A_201 = tpu.vector_load %arg10[%parallel_loop3A_199, %parallel_loop3A_200] {strides = array<i32>} : memref<128x128xf32, #tpu.memory_space<vmem>>, vector<1x16xf32>,
          %parallel_loop3A_202 = vector.shape_cast %parallel_loop3A_201 : vector<1x16xf32> to vector<16xf32>
          %parallel_loop3A_203 = arith.constant 256 : i32
          %parallel_loop3A_204 = arith.addi %parallel_loop3A_203, %parallel_loop3A_166 : i32
          %parallel_loop3A_205 = arith.index_cast %parallel_loop3A_204 : i32 to index
          %parallel_loop3A_206 = arith.constant 32 : index
          %parallel_loop3A_207 = tpu.vector_load %arg11[%parallel_loop3A_205, %parallel_loop3A_206] {strides = array<i32>} : memref<512x128xf32, #tpu.memory_space<vmem>>, vector<1x16xf32>,
          %parallel_loop3A_208 = vector.shape_cast %parallel_loop3A_207 : vector<1x16xf32> to vector<16xf32>
          %parallel_loop3A_209 = arith.addf %parallel_loop3A_202, %parallel_loop3A_208 : vector<16xf32>
          %parallel_loop3A_210 = arith.index_cast %parallel_loop3A_166 : i32 to index
          %parallel_loop3A_211 = arith.constant 32 : index
          %parallel_loop3A_212 = tpu.vector_load %arg10[%parallel_loop3A_210, %parallel_loop3A_211] {strides = array<i32>} : memref<128x128xf32, #tpu.memory_space<vmem>>, vector<1x16xf32>,
          %parallel_loop3A_213 = vector.shape_cast %parallel_loop3A_212 : vector<1x16xf32> to vector<16xf32>
          %parallel_loop3A_214 = vector.shape_cast %parallel_loop3A_209 : vector<16xf32> to vector<1x16xf32>
          tpu.vector_store %arg10[%parallel_loop3A_210, %parallel_loop3A_211], %parallel_loop3A_214 {strides = array<i32>} : memref<128x128xf32, #tpu.memory_space<vmem>>, vector<1x16xf32>,
          %parallel_loop3A_215 = arith.index_cast %parallel_loop3A_166 : i32 to index
          %parallel_loop3A_216 = arith.constant 48 : index
          %parallel_loop3A_217 = tpu.vector_load %arg10[%parallel_loop3A_215, %parallel_loop3A_216] {strides = array<i32>} : memref<128x128xf32, #tpu.memory_space<vmem>>, vector<1x16xf32>,
          %parallel_loop3A_218 = vector.shape_cast %parallel_loop3A_217 : vector<1x16xf32> to vector<16xf32>
          %parallel_loop3A_219 = arith.constant 256 : i32
          %parallel_loop3A_220 = arith.addi %parallel_loop3A_219, %parallel_loop3A_166 : i32
          %parallel_loop3A_221 = arith.index_cast %parallel_loop3A_220 : i32 to index
          %parallel_loop3A_222 = arith.constant 48 : index
          %parallel_loop3A_223 = tpu.vector_load %arg11[%parallel_loop3A_221, %parallel_loop3A_222] {strides = array<i32>} : memref<512x128xf32, #tpu.memory_space<vmem>>, vector<1x16xf32>,
          %parallel_loop3A_224 = vector.shape_cast %parallel_loop3A_223 : vector<1x16xf32> to vector<16xf32>
          %parallel_loop3A_225 = arith.addf %parallel_loop3A_218, %parallel_loop3A_224 : vector<16xf32>
          %parallel_loop3A_226 = arith.index_cast %parallel_loop3A_166 : i32 to index
          %parallel_loop3A_227 = arith.constant 48 : index
          %parallel_loop3A_228 = tpu.vector_load %arg10[%parallel_loop3A_226, %parallel_loop3A_227] {strides = array<i32>} : memref<128x128xf32, #tpu.memory_space<vmem>>, vector<1x16xf32>,
          %parallel_loop3A_229 = vector.shape_cast %parallel_loop3A_228 : vector<1x16xf32> to vector<16xf32>
          %parallel_loop3A_230 = vector.shape_cast %parallel_loop3A_225 : vector<16xf32> to vector<1x16xf32>
          tpu.vector_store %arg10[%parallel_loop3A_226, %parallel_loop3A_227], %parallel_loop3A_230 {strides = array<i32>} : memref<128x128xf32, #tpu.memory_space<vmem>>, vector<1x16xf32>,
        } {sc.loop_unroll_factor = 4 : i64, sc.parallel_access}
        %dma_start3A_118 = arith.constant 256 : i32
        %dma_start3A_119 = arith.constant 0 : i32
        %dma_start3A_120 = tpu.memref_slice %arg5[%add3A_11, %dma_start3A_118, %dma_start3A_119] : memref<1024x512x128xf32, #tpu.memory_space<hbm>> -> memref<1x128x128xf32, #tpu.memory_space<hbm>>
        %dma_start3A_121 = tpu.memref_squeeze %dma_start3A_120 : memref<1x128x128xf32, #tpu.memory_space<hbm>> -> memref<128x128xf32, #tpu.memory_space<hbm>>
        %dma_start3A_122 = arith.constant 256 : i32
        %dma_start3A_123 = arith.constant 0 : i32
        %dma_start3A_124 = tpu.memref_slice %arg5[%add3A_11, %dma_start3A_122, %dma_start3A_123] : memref<1024x512x128xf32, #tpu.memory_space<hbm>> -> memref<1x128x128xf32, #tpu.memory_space<hbm>>
        %dma_start3A_125 = tpu.memref_squeeze %dma_start3A_124 : memref<1x128x128xf32, #tpu.memory_space<hbm>> -> memref<128x128xf32, #tpu.memory_space<hbm>>
        tpu.enqueue_dma source(%arg10 : memref<128x128xf32, #tpu.memory_space<vmem>>) target(%dma_start3A_125 : memref<128x128xf32, #tpu.memory_space<hbm>>) target_semaphore(%arg13 : memref<!tpu.dma_semaphore, #tpu.memory_space<semaphore_mem>>)
        %dma_wait3A_126 = arith.constant 384 : i32
        %dma_wait3A_127 = tpu.memref_slice %arg7[%dma_wait3A_126] : memref<512xi32, #tpu.memory_space<vmem>> -> memref<128xi32, #tpu.memory_space<vmem>>
        %dma_wait3A_128 = arith.constant 0 : i32
        %dma_wait3A_129 = arith.constant 0 : i32
        %dma_wait3A_130 = tpu.memref_slice %arg3[%dma_wait3A_128, %dma_wait3A_129] : memref<1000000x128xf32, #tpu.memory_space<hbm>> -> memref<1000000x128xf32, #tpu.memory_space<hbm>>
        tpu.wait_indirect_dma semaphore(%arg12 : memref<!tpu.dma_semaphore, #tpu.memory_space<semaphore_mem>>) src(%dma_wait3A_130 : memref<1000000x128xf32, #tpu.memory_space<hbm>>) dst(%arg8 : memref<128x128xf32, #tpu.memory_space<vmem>>)
        %parallel_loop3A_131 = arith.constant 0 : i32
        %parallel_loop3A_132 = arith.constant 128 : i32
        %parallel_loop3A_133 = arith.constant 1 : i32
        scf.for %parallel_loop3A_166 = %parallel_loop3A_131 to %parallel_loop3A_132 step %parallel_loop3A_133  : i32 {
          %parallel_loop3A_167 = arith.index_cast %parallel_loop3A_166 : i32 to index
          %parallel_loop3A_168 = arith.constant 0 : index
          %parallel_loop3A_169 = tpu.vector_load %arg8[%parallel_loop3A_167, %parallel_loop3A_168] {strides = array<i32>} : memref<128x128xf32, #tpu.memory_space<vmem>>, vector<1x16xf32>,
          %parallel_loop3A_170 = vector.shape_cast %parallel_loop3A_169 : vector<1x16xf32> to vector<16xf32>
          %parallel_loop3A_171 = arith.constant 384 : i32
          %parallel_loop3A_172 = arith.addi %parallel_loop3A_171, %parallel_loop3A_166 : i32
          %parallel_loop3A_173 = arith.index_cast %parallel_loop3A_172 : i32 to index
          %parallel_loop3A_174 = arith.constant 0 : index
          %parallel_loop3A_175 = tpu.vector_load %arg11[%parallel_loop3A_173, %parallel_loop3A_174] {strides = array<i32>} : memref<512x128xf32, #tpu.memory_space<vmem>>, vector<1x16xf32>,
          %parallel_loop3A_176 = vector.shape_cast %parallel_loop3A_175 : vector<1x16xf32> to vector<16xf32>
          %parallel_loop3A_177 = arith.addf %parallel_loop3A_170, %parallel_loop3A_176 : vector<16xf32>
          %parallel_loop3A_178 = arith.index_cast %parallel_loop3A_166 : i32 to index
          %parallel_loop3A_179 = arith.constant 0 : index
          %parallel_loop3A_180 = tpu.vector_load %arg8[%parallel_loop3A_178, %parallel_loop3A_179] {strides = array<i32>} : memref<128x128xf32, #tpu.memory_space<vmem>>, vector<1x16xf32>,
          %parallel_loop3A_181 = vector.shape_cast %parallel_loop3A_180 : vector<1x16xf32> to vector<16xf32>
          %parallel_loop3A_182 = vector.shape_cast %parallel_loop3A_177 : vector<16xf32> to vector<1x16xf32>
          tpu.vector_store %arg8[%parallel_loop3A_178, %parallel_loop3A_179], %parallel_loop3A_182 {strides = array<i32>} : memref<128x128xf32, #tpu.memory_space<vmem>>, vector<1x16xf32>,
          %parallel_loop3A_183 = arith.index_cast %parallel_loop3A_166 : i32 to index
          %parallel_loop3A_184 = arith.constant 16 : index
          %parallel_loop3A_185 = tpu.vector_load %arg8[%parallel_loop3A_183, %parallel_loop3A_184] {strides = array<i32>} : memref<128x128xf32, #tpu.memory_space<vmem>>, vector<1x16xf32>,
          %parallel_loop3A_186 = vector.shape_cast %parallel_loop3A_185 : vector<1x16xf32> to vector<16xf32>
          %parallel_loop3A_187 = arith.constant 384 : i32
          %parallel_loop3A_188 = arith.addi %parallel_loop3A_187, %parallel_loop3A_166 : i32
          %parallel_loop3A_189 = arith.index_cast %parallel_loop3A_188 : i32 to index
          %parallel_loop3A_190 = arith.constant 16 : index
          %parallel_loop3A_191 = tpu.vector_load %arg11[%parallel_loop3A_189, %parallel_loop3A_190] {strides = array<i32>} : memref<512x128xf32, #tpu.memory_space<vmem>>, vector<1x16xf32>,
          %parallel_loop3A_192 = vector.shape_cast %parallel_loop3A_191 : vector<1x16xf32> to vector<16xf32>
          %parallel_loop3A_193 = arith.addf %parallel_loop3A_186, %parallel_loop3A_192 : vector<16xf32>
          %parallel_loop3A_194 = arith.index_cast %parallel_loop3A_166 : i32 to index
          %parallel_loop3A_195 = arith.constant 16 : index
          %parallel_loop3A_196 = tpu.vector_load %arg8[%parallel_loop3A_194, %parallel_loop3A_195] {strides = array<i32>} : memref<128x128xf32, #tpu.memory_space<vmem>>, vector<1x16xf32>,
          %parallel_loop3A_197 = vector.shape_cast %parallel_loop3A_196 : vector<1x16xf32> to vector<16xf32>
          %parallel_loop3A_198 = vector.shape_cast %parallel_loop3A_193 : vector<16xf32> to vector<1x16xf32>
          tpu.vector_store %arg8[%parallel_loop3A_194, %parallel_loop3A_195], %parallel_loop3A_198 {strides = array<i32>} : memref<128x128xf32, #tpu.memory_space<vmem>>, vector<1x16xf32>,
          %parallel_loop3A_199 = arith.index_cast %parallel_loop3A_166 : i32 to index
          %parallel_loop3A_200 = arith.constant 32 : index
          %parallel_loop3A_201 = tpu.vector_load %arg8[%parallel_loop3A_199, %parallel_loop3A_200] {strides = array<i32>} : memref<128x128xf32, #tpu.memory_space<vmem>>, vector<1x16xf32>,
          %parallel_loop3A_202 = vector.shape_cast %parallel_loop3A_201 : vector<1x16xf32> to vector<16xf32>
          %parallel_loop3A_203 = arith.constant 384 : i32
          %parallel_loop3A_204 = arith.addi %parallel_loop3A_203, %parallel_loop3A_166 : i32
          %parallel_loop3A_205 = arith.index_cast %parallel_loop3A_204 : i32 to index
          %parallel_loop3A_206 = arith.constant 32 : index
          %parallel_loop3A_207 = tpu.vector_load %arg11[%parallel_loop3A_205, %parallel_loop3A_206] {strides = array<i32>} : memref<512x128xf32, #tpu.memory_space<vmem>>, vector<1x16xf32>,
          %parallel_loop3A_208 = vector.shape_cast %parallel_loop3A_207 : vector<1x16xf32> to vector<16xf32>
          %parallel_loop3A_209 = arith.addf %parallel_loop3A_202, %parallel_loop3A_208 : vector<16xf32>
          %parallel_loop3A_210 = arith.index_cast %parallel_loop3A_166 : i32 to index
          %parallel_loop3A_211 = arith.constant 32 : index
          %parallel_loop3A_212 = tpu.vector_load %arg8[%parallel_loop3A_210, %parallel_loop3A_211] {strides = array<i32>} : memref<128x128xf32, #tpu.memory_space<vmem>>, vector<1x16xf32>,
          %parallel_loop3A_213 = vector.shape_cast %parallel_loop3A_212 : vector<1x16xf32> to vector<16xf32>
          %parallel_loop3A_214 = vector.shape_cast %parallel_loop3A_209 : vector<16xf32> to vector<1x16xf32>
          tpu.vector_store %arg8[%parallel_loop3A_210, %parallel_loop3A_211], %parallel_loop3A_214 {strides = array<i32>} : memref<128x128xf32, #tpu.memory_space<vmem>>, vector<1x16xf32>,
          %parallel_loop3A_215 = arith.index_cast %parallel_loop3A_166 : i32 to index
          %parallel_loop3A_216 = arith.constant 48 : index
          %parallel_loop3A_217 = tpu.vector_load %arg8[%parallel_loop3A_215, %parallel_loop3A_216] {strides = array<i32>} : memref<128x128xf32, #tpu.memory_space<vmem>>, vector<1x16xf32>,
          %parallel_loop3A_218 = vector.shape_cast %parallel_loop3A_217 : vector<1x16xf32> to vector<16xf32>
          %parallel_loop3A_219 = arith.constant 384 : i32
          %parallel_loop3A_220 = arith.addi %parallel_loop3A_219, %parallel_loop3A_166 : i32
          %parallel_loop3A_221 = arith.index_cast %parallel_loop3A_220 : i32 to index
          %parallel_loop3A_222 = arith.constant 48 : index
          %parallel_loop3A_223 = tpu.vector_load %arg11[%parallel_loop3A_221, %parallel_loop3A_222] {strides = array<i32>} : memref<512x128xf32, #tpu.memory_space<vmem>>, vector<1x16xf32>,
          %parallel_loop3A_224 = vector.shape_cast %parallel_loop3A_223 : vector<1x16xf32> to vector<16xf32>
          %parallel_loop3A_225 = arith.addf %parallel_loop3A_218, %parallel_loop3A_224 : vector<16xf32>
          %parallel_loop3A_226 = arith.index_cast %parallel_loop3A_166 : i32 to index
          %parallel_loop3A_227 = arith.constant 48 : index
          %parallel_loop3A_228 = tpu.vector_load %arg8[%parallel_loop3A_226, %parallel_loop3A_227] {strides = array<i32>} : memref<128x128xf32, #tpu.memory_space<vmem>>, vector<1x16xf32>,
          %parallel_loop3A_229 = vector.shape_cast %parallel_loop3A_228 : vector<1x16xf32> to vector<16xf32>
          %parallel_loop3A_230 = vector.shape_cast %parallel_loop3A_225 : vector<16xf32> to vector<1x16xf32>
          tpu.vector_store %arg8[%parallel_loop3A_226, %parallel_loop3A_227], %parallel_loop3A_230 {strides = array<i32>} : memref<128x128xf32, #tpu.memory_space<vmem>>, vector<1x16xf32>,
        } {sc.loop_unroll_factor = 4 : i64, sc.parallel_access}
        %dma_start3A_134 = arith.constant 384 : i32
        %dma_start3A_135 = arith.constant 0 : i32
        %dma_start3A_136 = tpu.memref_slice %arg5[%add3A_11, %dma_start3A_134, %dma_start3A_135] : memref<1024x512x128xf32, #tpu.memory_space<hbm>> -> memref<1x128x128xf32, #tpu.memory_space<hbm>>
        %dma_start3A_137 = tpu.memref_squeeze %dma_start3A_136 : memref<1x128x128xf32, #tpu.memory_space<hbm>> -> memref<128x128xf32, #tpu.memory_space<hbm>>
        %dma_start3A_138 = arith.constant 384 : i32
        %dma_start3A_139 = arith.constant 0 : i32
        %dma_start3A_140 = tpu.memref_slice %arg5[%add3A_11, %dma_start3A_138, %dma_start3A_139] : memref<1024x512x128xf32, #tpu.memory_space<hbm>> -> memref<1x128x128xf32, #tpu.memory_space<hbm>>
        %dma_start3A_141 = tpu.memref_squeeze %dma_start3A_140 : memref<1x128x128xf32, #tpu.memory_space<hbm>> -> memref<128x128xf32, #tpu.memory_space<hbm>>
        tpu.enqueue_dma source(%arg8 : memref<128x128xf32, #tpu.memory_space<vmem>>) target(%dma_start3A_141 : memref<128x128xf32, #tpu.memory_space<hbm>>) target_semaphore(%arg13 : memref<!tpu.dma_semaphore, #tpu.memory_space<semaphore_mem>>)
        %dma_wait3A_142 = arith.constant 128 : i32
        %dma_wait3A_143 = arith.constant 0 : i32
        %dma_wait3A_144 = tpu.memref_slice %arg5[%add3A_11, %dma_wait3A_142, %dma_wait3A_143] : memref<1024x512x128xf32, #tpu.memory_space<hbm>> -> memref<1x128x128xf32, #tpu.memory_space<hbm>>
        %dma_wait3A_145 = tpu.memref_squeeze %dma_wait3A_144 : memref<1x128x128xf32, #tpu.memory_space<hbm>> -> memref<128x128xf32, #tpu.memory_space<hbm>>
        %dma_wait3A_146 = arith.constant 128 : i32
        %dma_wait3A_147 = arith.constant 0 : i32
        %dma_wait3A_148 = tpu.memref_slice %arg5[%add3A_11, %dma_wait3A_146, %dma_wait3A_147] : memref<1024x512x128xf32, #tpu.memory_space<hbm>> -> memref<1x128x128xf32, #tpu.memory_space<hbm>>
        %dma_wait3A_149 = tpu.memref_squeeze %dma_wait3A_148 : memref<1x128x128xf32, #tpu.memory_space<hbm>> -> memref<128x128xf32, #tpu.memory_space<hbm>>
        tpu.wait_dma2 semaphore(%arg13 : memref<!tpu.dma_semaphore, #tpu.memory_space<semaphore_mem>>) src(%arg9 : memref<128x128xf32, #tpu.memory_space<vmem>>) dst(%dma_wait3A_149 : memref<128x128xf32, #tpu.memory_space<hbm>>)
        %dma_wait3A_150 = arith.constant 256 : i32
        %dma_wait3A_151 = arith.constant 0 : i32
        %dma_wait3A_152 = tpu.memref_slice %arg5[%add3A_11, %dma_wait3A_150, %dma_wait3A_151] : memref<1024x512x128xf32, #tpu.memory_space<hbm>> -> memref<1x128x128xf32, #tpu.memory_space<hbm>>
        %dma_wait3A_153 = tpu.memref_squeeze %dma_wait3A_152 : memref<1x128x128xf32, #tpu.memory_space<hbm>> -> memref<128x128xf32, #tpu.memory_space<hbm>>
        %dma_wait3A_154 = arith.constant 256 : i32
        %dma_wait3A_155 = arith.constant 0 : i32
        %dma_wait3A_156 = tpu.memref_slice %arg5[%add3A_11, %dma_wait3A_154, %dma_wait3A_155] : memref<1024x512x128xf32, #tpu.memory_space<hbm>> -> memref<1x128x128xf32, #tpu.memory_space<hbm>>
        %dma_wait3A_157 = tpu.memref_squeeze %dma_wait3A_156 : memref<1x128x128xf32, #tpu.memory_space<hbm>> -> memref<128x128xf32, #tpu.memory_space<hbm>>
        tpu.wait_dma2 semaphore(%arg13 : memref<!tpu.dma_semaphore, #tpu.memory_space<semaphore_mem>>) src(%arg10 : memref<128x128xf32, #tpu.memory_space<vmem>>) dst(%dma_wait3A_157 : memref<128x128xf32, #tpu.memory_space<hbm>>)
        %dma_wait3A_158 = arith.constant 384 : i32
        %dma_wait3A_159 = arith.constant 0 : i32
        %dma_wait3A_160 = tpu.memref_slice %arg5[%add3A_11, %dma_wait3A_158, %dma_wait3A_159] : memref<1024x512x128xf32, #tpu.memory_space<hbm>> -> memref<1x128x128xf32, #tpu.memory_space<hbm>>
        %dma_wait3A_161 = tpu.memref_squeeze %dma_wait3A_160 : memref<1x128x128xf32, #tpu.memory_space<hbm>> -> memref<128x128xf32, #tpu.memory_space<hbm>>
        %dma_wait3A_162 = arith.constant 384 : i32
        %dma_wait3A_163 = arith.constant 0 : i32
        %dma_wait3A_164 = tpu.memref_slice %arg5[%add3A_11, %dma_wait3A_162, %dma_wait3A_163] : memref<1024x512x128xf32, #tpu.memory_space<hbm>> -> memref<1x128x128xf32, #tpu.memory_space<hbm>>
        %dma_wait3A_165 = tpu.memref_squeeze %dma_wait3A_164 : memref<1x128x128xf32, #tpu.memory_space<hbm>> -> memref<128x128xf32, #tpu.memory_space<hbm>>
        tpu.wait_dma2 semaphore(%arg13 : memref<!tpu.dma_semaphore, #tpu.memory_space<semaphore_mem>>) src(%arg8 : memref<128x128xf32, #tpu.memory_space<vmem>>) dst(%dma_wait3A_165 : memref<128x128xf32, #tpu.memory_space<hbm>>)
      } else {
      }
      %scan3A_45 = arith.constant 0 : i32
      scf.yield %scan3A_45 : i32
    }
    %scan3A_8 = arith.constant 32 : i32
    return
  }
}

</mosaic_0001>

<sc_bundles>
// kernel: kernel.3.cloned.1.call-start
scs
__scs_entry_jumppad:
0x0: {  	(pc) =	sbr.rel $0x88, $3  }
0x1: {  	(tag) =	ssettag $0x0;
	lr =	simm.s32 $0x1  }
0x2: {  	[smem:$0x3F9E] =	sst lr;
	_ =	strace $0xD0000000  }
0x3: {  	_ = 	snop  }
0x4: {  	_ = 	snop  }
0x5: {  	_ = 	snop  }
0x6: {  	_ = 	snop  }
0x7: {  	_ = 	snop  }
__scs_overlays_trampoline_lowered:
0x8: {  	[smem:$0x3FAD] =	sst s0  }
0x9: {  	[smem:$0x3FAE] =	sst s1  }
0xa: {  	[smem:$0x3FAF] =	sst s2  }
0xb: {  	[smem:$0x3FB0] =	sst s3  }
0xc: {  	[smem:$0x3FB1] =	sst s4  }
0xd: {  	[smem:$0x3FB2] =	sst s5  }
0xe: {  	[smem:$0x3FB3] =	sst s6  }
0xf: {  	[smem:$0x3FB4] =	sst s7  }
0x10: {  	[smem:$0x3FB5] =	sst s8  }
0x11: {  	[smem:$0x3FB6] =	sst s9;
	s0 =	simm.s32 @!p0 $0x0  }
0x12: {  	s1 =	sld [smem:$0x3F9C];
	s0 =	simm.s32 @p0 $0x1  }
0x13: {  	[smem:$0x3FB7] =	sst s0;
	s0 =	simm.s32 @!p1 $0x0  }
0x14: {  	s2 =	sld [smem:$0x3F9B];
	s0 =	simm.s32 @p1 $0x1  }
0x15: {  	[smem:$0x3FB8] =	sst s0;
	s0 =	simm.s32 @!p2 $0x0  }
0x16: {  	s3 =	sld [smem:$0x3FDB];
	s0 =	simm.s32 @p2 $0x1  }
0x17: {  	s4 =	simm.s32 $0x1BF5;
	[smem:$0x3FBA] =	sst s0  }
0x18: {  	s0 =	sld [smem:$0x3F9D];
	_ =	swait.ge [sflag:s4], $0x0  }
0x19: {  	s7 =	sld [smem:$0x3F9E]  }
0x1a: {  	s8 =	sadd.s32 $0xFFFFE003, lr  }
0x1b: {  	s9 =	sadd.s32 $0xFFFFFEF7, lr;
	s5 =	simm.s32 $0xFFFFFFFF;
	p2 =	slt.u32 s8, $0xFFFFF086  }
0x1c: {  	p1 =	slt.u32 s9, $0xF7A;
	s5 =	simm.s32 @!p2 $0x0  }
0x1d: {  	s5 =	simm.s32 @p1 $0x1;
	p0 =	seq.s32 s7, s2  }
0x1e: {  	s7 =	smul.u32 @!p0 $0xF7A, s2;
	p2 =	seq.s32 @!p0 s5, $0x0  }
0x1f: {  	s9 =	smul.u32 $0xF7A, s1;
	s8 =	simm.s32 @!p0 $0x1BF5;
	p2 =	por !p2, p0  }
0x20: {  	[sflag:s8] =	ssyncset.s32 @!p0 $0xFFFFF086;
	s6 =	sadd.s32 @!p0 s3, s7;
	s7 =	simm.s32 @!p0 $0x108  }
0x21: {  	s3 =	sadd.s32 s3, s9;
	s6 =	sadd.s32 @!p0 $0x88, s6;
	s7 =	simm.s32 @p2 $0x1082  }
0x22: {  	[simem:s7], [sflag:s8] =	dma.local @!p0 [hbm:s6], $0xF7A  }
0x23: {  	s9 =	sor.u32 $0xD0000000, s2;
	s6 =	simm.s32 $0x108;
	_ =	swait.ge @!p0 [sflag:s8], $0x0  }
0x24: {  	s3 =	sadd.s32 $0x88, s3;
	s6 =	simm.s32 @!p1 $0x1082;
	[sflag:s4] =	ssyncset.s32 $0xFFFFF086  }
0x25: {  	[simem:s6], [sflag:s4] =	dma.local [hbm:s3], $0xF7A  }
0x26: {  	[smem:$0x3F9E] =	sst s1;
	(tag) =	ssettag s2;
	_ =	strace s9  }
0x27: {  	s1 =	sld [smem:$0x3FAE]  }
0x28: {  	s2 =	sld [smem:$0x3FAF]  }
0x29: {  	s4 =	sld [smem:$0x3FB1]  }
0x2a: {  	p0 =	seq.s32 s5, $0x0;
	s5 =	sld [smem:$0x3FB2]  }
0x2b: {  	s6 =	sld [smem:$0x3FB3]  }
0x2c: {  	s7 =	sld [smem:$0x3FB4]  }
0x2d: {  	s3 =	simm.s32 $0x108;
	s8 =	sld [smem:$0x3FB5]  }
0x2e: {  	s3 =	simm.s32 @!p0 $0x1082;
	s9 =	sld [smem:$0x3FB6]  }
0x2f: {  	lr =	sadd.s32 s0, s3;
	s0 =	sld [smem:$0x3FAD]  }
0x30: {  	s3 =	sld [smem:$0x3FB0]  }
0x31: {  	[smem:$0x3FB9] =	sst s10  }
0x32: {  	s10 =	sld [smem:$0x3FB7];
	_ =	sdelay $0x3  }
0x33: {  	p0 =	seq.s32 s10, $0x1;
	s10 =	sld [smem:$0x3FB9];
	_ =	sdelay $0x3  }
0x34: {  	[smem:$0x3FB9] =	sst s10  }
0x35: {  	s10 =	sld [smem:$0x3FB8];
	_ =	sdelay $0x3  }
0x36: {  	p1 =	seq.s32 s10, $0x1;
	s10 =	sld [smem:$0x3FB9];
	_ =	sdelay $0x3  }
0x37: {  	[smem:$0x3FB9] =	sst s10  }
0x38: {  	s10 =	sld [smem:$0x3FBA]  }
0x39: {  	_ = 	snop;
	(pc) =	sbr.ind lr, $3  }
0x3a: {  	_ = 	snop  }
0x3b: {  	_ = 	snop  }
0x3c: {  	p2 =	seq.s32 s10, $0x1;
	s10 =	sld [smem:$0x3FB9]  }
0x3d: {  	_ =	shalt  }
0x3e: {  	_ =	shalt  }
0x3f: {  	_ =	shalt  }
0x40: {  	_ =	shalt  }
0x41: {  	_ =	shalt  }
0x42: {  	_ =	shalt  }
0x43: {  	_ =	shalt  }
0x44: {  	_ =	shalt  }
0x45: {  	_ =	shalt  }
0x46: {  	_ =	shalt  }
0x47: {  	_ =	shalt  }
0x48: {  	_ =	shalt  }
0x49: {  	_ =	shalt  }
0x4a: {  	_ =	shalt  }
0x4b: {  	_ =	shalt  }
0x4c: {  	_ =	shalt  }
0x4d: {  	_ =	shalt  }
0x4e: {  	_ =	shalt  }
0x4f: {  	_ =	shalt  }
0x50: {  	_ =	shalt  }
0x51: {  	_ =	shalt  }
0x52: {  	_ =	shalt  }
0x53: {  	_ =	shalt  }
0x54: {  	_ =	shalt  }
0x55: {  	_ =	shalt  }
0x56: {  	_ =	shalt  }
0x57: {  	_ =	shalt  }
0x58: {  	_ =	shalt  }
0x59: {  	_ =	shalt  }
0x5a: {  	_ =	shalt  }
0x5b: {  	_ =	shalt  }
0x5c: {  	_ =	shalt  }
0x5d: {  	_ =	shalt  }
0x5e: {  	_ =	shalt  }
0x5f: {  	_ =	shalt  }
0x60: {  	_ =	shalt  }
0x61: {  	_ =	shalt  }
0x62: {  	_ =	shalt  }
0x63: {  	_ =	shalt  }
0x64: {  	_ =	shalt  }
0x65: {  	_ =	shalt  }
0x66: {  	_ =	shalt  }
0x67: {  	_ =	shalt  }
0x68: {  	_ =	shalt  }
0x69: {  	_ =	shalt  }
0x6a: {  	_ =	shalt  }
0x6b: {  	_ =	shalt  }
0x6c: {  	_ =	shalt  }
0x6d: {  	_ =	shalt  }
0x6e: {  	_ =	shalt  }
0x6f: {  	_ =	shalt  }
0x70: {  	_ =	shalt  }
0x71: {  	_ =	shalt  }
0x72: {  	_ =	shalt  }
0x73: {  	_ =	shalt  }
0x74: {  	_ =	shalt  }
0x75: {  	_ =	shalt  }
0x76: {  	_ =	shalt  }
0x77: {  	_ =	shalt  }
0x78: {  	_ =	shalt  }
0x79: {  	_ =	shalt  }
0x7a: {  	_ =	shalt  }
0x7b: {  	_ =	shalt  }
0x7c: {  	_ =	shalt  }
0x7d: {  	_ =	shalt  }
0x7e: {  	_ =	shalt  }
0x7f: {  	_ =	shalt  }
0x80: {  	_ =	shalt  }
0x81: {  	_ =	shalt  }
0x82: {  	_ =	shalt  }
0x83: {  	_ =	shalt  }
0x84: {  	_ =	shalt  }
0x85: {  	_ =	shalt  }
0x86: {  	_ =	shalt  }
0x87: {  	_ =	shalt  }
.Lfunc_end0:
.L_simem_size_0:
called_computation.1_lowered:
.L_overlay_start_0:
0x88: {  	s2 =	sld [smem:$0x3FD9]  }
0x89: {  	s3 =	sld [smem:$0x3FFE];
	_ =	sdelay $0x1  }
0x8a: {  	s1 =	srdreg.scid  }
0x8b: {  	s0 =	sand.u32 $0x1, s1  }
0x8c: {  	s17 =	sshll.u32 s0, $0xA;
	s2 =	sadd.s32 s3, s2  }
0x8d: {  	s2 =	sadd.s32 s2, s17  }
0x8e: {  	[smem:$0x3FC5] =	sst s2  }
0x8f: {  	_ = 	snop  }
0x90: {  	s2 =	sld [smem:$0x3FC9]  }
0x91: {  	s18 =	sld [smem:$0x3FD0];
	(tm) =	ssettm $0x1  }
0x92: {  	s4 =	sld [smem:$0x3FFB];
	_ =	sdelay $0x3  }
0x93: {  	_ =	strace s4  }
0x94: {  	s4 =	sld [smem:$0x3FFC];
	_ =	sdelay $0x3  }
0x95: {  	_ =	strace s4  }
0x96: {  	s4 =	sld [smem:$0x3FFD];
	_ =	sdelay $0x3  }
0x97: {  	_ =	strace s4  }
0x98: {  	_ =	strace $0x8FFFFFFF  }
0x99: {  	s19 =	sld [smem:$0x3FDB];
	_ =	sdelay $0x1  }
0x9a: {  	s5 =	simm.s32 $_scs_section_size  }
0x9b: {  	s6 =	simm.s32 $_size__tile_overlayer_lowered;
	s7 =	simm.s32 $_tile_overlayer_lowered  }
0x9c: {  	s22 =	simm.s32 $0x1BFF;
	s21 =	sshll.u32 s7, $0x1;
	s4 =	sadd.s32 s5, s19  }
0x9d: {  	s8 =	simm.s32 $0x0;
	s20 =	sshll.u32 s6, $0x1;
	s6 =	sadd.s32 s21, s4  }
0x9e: {  	[timem:s8], [sflag:s22] =	dma.local [hbm:s6], s20  }
0x9f: {  	_ =	swait.ge [sflag:s22], s20  }
0xa0: {  	s5 =	ssub.s32 $0x0, s20;
	[sflag:s22] =	ssyncset.done $0x0  }
0xa1: {  	[sflag:s22] =	ssyncadd.s32 s5;
	_ =	sdelay $0x1  }
0xa2: {  	s23 =	simm.s32 $0x1B8B  }
0xa3: {  	_ =	swait.ge [sflag:s23], $0x1  }
0xa4: {  	[sflag:s23] =	ssyncset.done $0x0  }
0xa5: {  	s25 =	simm.s32 $0x1B8E;
	s24 =	sld [smem:$0x3FFE];
	[sflag:s23] =	ssyncadd.s32 $0xFFFFFFFF  }
0xa6: {  	s26 =	simm.s32 $execute0_lowered;
	[smem:$0x3FD2] =	sst s25  }
0xa7: {  	s6 =	sshll.u32 s26, $0x1;
	_ =	strace $0x80000046;
	[dreg:$0x1] =	wrdreg $0xFFFFFFFF  }
0xa8: {  	s28 =	simm.s32 $_size_execute0_lowered;
	s4 =	sadd.s32 s4, s6;
	[dreg:$0x0] =	wrdreg $0x0  }
0xa9: {  	s6 =	sshll.u32 s28, $0x1;
	[dreg:$0x2] =	wrdreg s4  }
0xaa: {  	[dreg:$0x3] =	wrdreg s6  }
0xab: {  	[dreg:$0x4] =	wrdreg $0xC0  }
0xac: {  	_ =	task [dreg:s8], $0x5FFFF  }
0xad: {  	[dreg:$0x1] =	wrdreg $0xFFFFFFFF  }
0xae: {  	[dreg:$0x0] =	wrdreg $0x60  }
0xaf: {  	[dreg:$0x2] =	wrdreg s2  }
0xb0: {  	[dreg:$0x3] =	wrdreg s24  }
0xb1: {  	[dreg:$0x4] =	wrdreg s18  }
0xb2: {  	[dreg:$0x5] =	wrdreg $0x9  }
0xb3: {  	_ =	task.clear_ibuf [dreg:s8], $0x6FFFF;
	_ =	strace $0x90000046  }
0xb4: {  	s29 =	simm.s32 $0x9;
	_ =	strace $0x80000048  }
0xb5: {  	_ =	swait.ge [sflag:s29], $0x1  }
0xb6: {  	[sflag:s29] =	ssyncadd.s32 $0xFFFFFFFF  }
0xb7: {  	_ =	strace $0x90000048  }
0xb8: {  	_ =	sfence  }
0xb9: {  	s30 =	sld [smem:$0x0];
	_ =	sdelay $0x2  }
0xba: {  	s31 =	sshll.u32 s1, $0xD;
	s1 =	sshrl.u32 s1, $0x2  }
0xbb: {  	s3 =	sand.u32 $0x4000, s31;
	s1 =	sadd.s32 s1, s30  }
0xbc: {  	s0 =	sor.u32 s3, s0;
	s1 =	sshll.u32 s1, $0x11  }
0xbd: {  	s0 =	sor.u32 s1, s0  }
0xbe: {  	s0 =	sadd.s32 $0x8F2B, s0  }
0xbf: {  	[sflag:s0] =	ssyncadd.remote.s32 $0x1  }
0xc0: {  	_ =	sfence.sel $0xFFFF  }
0xc1: {  	[dreg:$0x0] =	wrdreg $0xFFFFFFFF;
	(pc) =	sbr.abs _section_cstart, $3  }
0xc2: {  	[dreg:$0x1] =	wrdreg $0xFFFFFFFF  }
0xc3: {  	_ =	task.clear_ibuf [dreg:s8], $0x2FFFF;
	_ =	strace $0x9FFFFFFF  }
0xc4: {  	(tm) =	ssettm $0x7FFFFFFF  }
0xc5: {  	_ =	shalt  }
tec
execute0_lowered:
.L_overlay_start_1:
0x0: {  	(tag) =	ssettag $0x1  }
0x1: {  	s1 =	rddreg [dreg:$0x0]  }
0x2: {  	s0 =	rddreg [dreg:$0x1]  }
0x3: {  	s4 =	simm.s32 $0x0;
	s2 =	srdreg.scid;
	s3 =	stileid.u32  }
0x4: {  	s14 =	simm.s32 $0x3;
	s15 =	simm.s32 $0x80;
	s16 =	simm.s32 $0x400  }
0x5: {  	s17 =	simm.s32 $0x200;
	s18 =	simm.s32 $0x280;
	s19 =	simm.s32 $0x4400  }
0x6: {  	s20 =	simm.s32 $0x300;
	s21 =	simm.s32 $0x8400;
	s22 =	simm.s32 $0x1  }
0x7: {  	s23 =	simm.s32 $0x2;
	s24 =	simm.s32 $0x380;
	s25 =	simm.s32 $0x100  }
0x8: {  	s26 =	simm.s32 $0x180;
	s28 =	simm.s32 $0x0;
	[smem:$0x7FF] =	sst s4  }
0x9: {  	s2 =	sand.u32 $0x1, s2;
	s3 =	sshll.u32 s3, $0x6;
	s5 =	sadd.s32 $0xF43000, s0  }
.Ltmp0:
0xa: {  	s7 =	sadd.s32 $0xC00, s0;
	s6 =	sshll.u32 s2, $0x5;
	(pc) =	sbr.rel .LBB2_1-.Ltmp0, $4  }
0xb: {  	s9 =	sadd.s32 $0x1400, s0;
	s2 =	ssub.s32 $0x2, s2;
	s6 =	sor.u32 s6, s3  }
0xc: {  	s10 =	sadd.s32 $0x1C00, s0;
	s30 =	sshrl.u32 s2, $0x1;
	s8 =	sshll.u32 s6, $0x6  }
0xd: {  	s11 =	sadd.s32 $0x2400, s0;
	s2 =	ssub.s32 s2, s30;
	s31 =	sadd.s32 s1, s8  }
0xe: {  	_ =	strace $0x80000047;
	s12 =	smax.u32 s2, $0x1;
	[dreg:$0x4] =	wrdreg s31  }
.LBB2_22:
0xf: {  	s28 =	sadd.s32 $0x1, s28  }
0x10: {  	p0 =	sne.s32 s28, s12  }
.Ltmp1:
0x11: {  	_ = 	snop;
	(pc) =	sbr.rel @!p0 .LBB2_23-.Ltmp1, $1  }
0x12: {  	_ =	sdelay $0x3  }
.LBB2_1:
0x13: {  	s0 =	rddreg [dreg:$0x2];
	s2 =	simm.s32 $0xC400  }
0x14: {  	[tilespmem:s2], [sflag:$0x3] =	stream.linear.gather [hbm4b:s0+s4], $0x10000, $0x38;
	[tilespmem:$0x1C400] =	vst v63  }
0x15: {  	_ =	swait.ge [sflag:s14], $0x10000  }
0x16: {  	[sflag:s14] =	ssyncset.done $0x0  }
.Ltmp2:
0x17: {  	s31 =	rddreg [dreg:$0x4];
	[sflag:s14] =	ssyncadd.s32 $0xFFFF0000;
	(pc) =	sbr.rel .LBB2_2-.Ltmp2, $4  }
0x18: {  	[tilespmem:s4], [sflag:$0x3] =	stream.strided.gather [hbm4b:s31+s15], $0x200, s16, s15, $0x38;
	[tilespmem:$0x1C400] =	vst v63  }
0x19: {  	_ =	swait.ge [sflag:s14], $0x200  }
0x1a: {  	[sflag:s14] =	ssyncset.done $0x0  }
0x1b: {  	s29 =	simm.s32 $0x0;
	[sflag:s14] =	ssyncadd.s32 $0xFFFFFE00  }
.LBB2_21:
0x1c: {  	s29 =	sadd.s32 $0x1, s29  }
0x1d: {  	p0 =	sne.s32 s29, $0x20  }
.Ltmp3:
0x1e: {  	_ = 	snop;
	(pc) =	sbr.rel @!p0 .LBB2_22-.Ltmp3, $1  }
0x1f: {  	_ =	sdelay $0x3  }
.LBB2_2:
0x20: {  	s31 =	sand.u32 $0x1, s29  }
0x21: {  	p0 =	seq.s32 s31, $0x1  }
.Ltmp4:
0x22: {  	_ = 	snop;
	(pc) =	sbr.rel @p0 .LBB2_12-.Ltmp4, $2  }
0x23: {  	_ =	sdelay $0x2  }
0x24: {  	s30 =	sor.u32 s6, s29  }
0x25: {  	[tilespmem:s16], [sflag:$0x1] =	stream.indirect.gather [hbm4b:s5+s15], $0x80, s4, s15, $0xb8;
	[tilespmem:$0x1C400] =	vst v63  }
0x26: {  	s0 =	sshll.u32 s29, $0x4  }
0x27: {  	s2 =	sshll.u32 s30, $0x6;
	s0 =	sand.u32 $0x60, s0  }
0x28: {  	[tilespmem:s19], [sflag:$0x1] =	stream.indirect.gather [hbm4b:s5+s15], $0x80, s15, s15, $0xb8;
	[tilespmem:$0x1C400] =	vst v63  }
0x29: {  	s2 =	sand.u32 $0xFE00, s2;
	s0 =	sadd.s32 s0, s1  }
0x2a: {  	s0 =	sadd.s32 s2, s0  }
0x2b: {  	[tilespmem:s21], [sflag:$0x1] =	stream.indirect.gather [hbm4b:s5+s15], $0x80, s25, s15, $0xb8;
	[tilespmem:$0x1C400] =	vst v63  }
0x2c: {  	s0 =	sadd.s32 $0x10, s0  }
0x2d: {  	[tilespmem:s17], [sflag:$0x3] =	stream.strided.gather [hbm4b:s0+s15], $0x200, s16, s15, $0x38;
	[tilespmem:$0x1C400] =	vst v63  }
0x2e: {  	_ =	swait.ge [sflag:s14], $0x200  }
0x2f: {  	[sflag:s14] =	ssyncset.done $0x0  }
0x30: {  	[sflag:s14] =	ssyncadd.s32 $0xFFFFFE00  }
0x31: {  	_ =	swait.ge [sflag:s22], $0x4000  }
0x32: {  	[sflag:s22] =	ssyncset.done $0x0  }
0x33: {  	s3 =	simm.s32 $0x500;
	[sflag:s22] =	ssyncadd.s32 $0xFFFFC000  }
0x34: {  	s0 =	simm.s32 $0xC500;
	v0 =	vld [tilespmem:s3+$0x80]  }
0x35: {  	v1 =	vld [tilespmem:s0+$0x80]  }
0x36: {  	v2 =	vld [tilespmem:s3+$0xFFFFFF80]  }
0x37: {  	v3 =	vld [tilespmem:s0+$0xFFFFFF80]  }
0x38: {  	v4 =	vld [tilespmem:s3+$0x0]  }
0x39: {  	v5 =	vld [tilespmem:s0+$0x0]  }
0x3a: {  	v6 =	vld [tilespmem:s3+$0xFFFFFF00];
	v0 =	vadd.f32 v1, v0  }
0x3b: {  	v1 =	vld [tilespmem:s0+$0xFFFFFF00]  }
0x3c: {  	[tilespmem:s3+$0x80] =	vst v0;
	v0 =	vld [tilespmem:s3+$0x90]  }
0x3d: {  	v2 =	vadd.f32 v3, v2;
	v3 =	vld [tilespmem:s0+$0x90]  }
0x3e: {  	v7 =	vld [tilespmem:s3+$0xFFFFFF10]  }
0x3f: {  	[tilespmem:s3+$0xFFFFFF80] =	vst v2;
	v2 =	vadd.f32 v5, v4;
	v4 =	vld [tilespmem:s3+$0xFFFFFF90]  }
0x40: {  	v5 =	vld [tilespmem:s0+$0xFFFFFF90];
	v1 =	vadd.f32 v1, v6  }
0x41: {  	[tilespmem:s3+$0x0] =	vst v2;
	v2 =	vld [tilespmem:s3+$0x10]  }
0x42: {  	v6 =	vld [tilespmem:s0+$0x10];
	[tilespmem:s3+$0xFFFFFF00] =	vst v1;
	v0 =	vadd.f32 v3, v0  }
0x43: {  	v1 =	vld [tilespmem:s0+$0xFFFFFF10]  }
0x44: {  	[tilespmem:s3+$0x90] =	vst v0;
	v0 =	vld [tilespmem:s3+$0xA0]  }
0x45: {  	v3 =	vadd.f32 v5, v4;
	v4 =	vld [tilespmem:s0+$0xA0]  }
0x46: {  	v5 =	vld [tilespmem:s3+$0xFFFFFF20]  }
0x47: {  	[tilespmem:s3+$0xFFFFFF90] =	vst v3;
	v2 =	vadd.f32 v6, v2;
	v3 =	vld [tilespmem:s3+$0xFFFFFFA0]  }
0x48: {  	v6 =	vld [tilespmem:s0+$0xFFFFFFA0];
	v1 =	vadd.f32 v1, v7  }
0x49: {  	[tilespmem:s3+$0x10] =	vst v2;
	v2 =	vld [tilespmem:s3+$0x20]  }
0x4a: {  	v7 =	vld [tilespmem:s0+$0x20];
	[tilespmem:s3+$0xFFFFFF10] =	vst v1;
	v0 =	vadd.f32 v4, v0  }
0x4b: {  	v4 =	vld [tilespmem:s0+$0xFFFFFF20]  }
0x4c: {  	v8 =	vld [tilespmem:s3+$0xB0];
	[tilespmem:s3+$0xA0] =	vst v0  }
0x4d: {  	v1 =	vadd.f32 v6, v3;
	v6 =	vld [tilespmem:s0+$0xB0]  }
0x4e: {  	v0 =	vld [tilespmem:s3+$0xFFFFFF30]  }
0x4f: {  	[tilespmem:s3+$0xFFFFFFA0] =	vst v1;
	v2 =	vadd.f32 v7, v2;
	v1 =	vld [tilespmem:s3+$0xFFFFFFB0]  }
0x50: {  	v3 =	vld [tilespmem:s0+$0xFFFFFFB0];
	v4 =	vadd.f32 v4, v5  }
0x51: {  	[tilespmem:s3+$0x20] =	vst v2;
	v2 =	vld [tilespmem:s3+$0x30]  }
0x52: {  	[tilespmem:s3+$0xFFFFFF20] =	vst v4;
	v4 =	vld [tilespmem:s0+$0x30];
	v6 =	vadd.f32 v6, v8  }
0x53: {  	s13 =	simm.s32 $0x700;
	s2 =	simm.s32 $0x0;
	v5 =	vld [tilespmem:s0+$0xFFFFFF30]  }
.LBB2_4:
0x54: {  	v7 =	vld [tilespmem:s13+$0x80];
	[tilespmem:s3+$0xB0] =	vst v6;
	s0 =	sadd.s32 $0x200, s0  }
0x55: {  	s2 =	sadd.s32 $0x4, s2;
	v6 =	vld [tilespmem:s0+$0x80];
	v1 =	vadd.f32 v3, v1  }
0x56: {  	p0 =	slt.u32 s2, $0x7C;
	v3 =	vld [tilespmem:s0+$0xFFFFFF00]  }
0x57: {  	v8 =	vld [tilespmem:s13+$0xFFFFFF80];
	[tilespmem:s3+$0xFFFFFFB0] =	vst v1;
	v1 =	vadd.f32 v4, v2  }
0x58: {  	v2 =	vld [tilespmem:s0+$0xFFFFFF80];
	v0 =	vadd.f32 v5, v0  }
0x59: {  	v4 =	vld [tilespmem:s13+$0x0];
	[tilespmem:s3+$0x30] =	vst v1  }
0x5a: {  	v1 =	vld [tilespmem:s0+$0x0];
	v5 =	vadd.f32 v6, v7;
	[tilespmem:s3+$0xFFFFFF30] =	vst v0;
	s3 =	smov.u32 s13  }
0x5b: {  	v0 =	vld [tilespmem:s13+$0xFFFFFF00]  }
0x5c: {  	[tilespmem:s13+$0x80] =	vst v5;
	v5 =	vld [tilespmem:s13+$0x90]  }
0x5d: {  	v2 =	vadd.f32 v2, v8;
	v6 =	vld [tilespmem:s0+$0x90]  }
0x5e: {  	v7 =	vld [tilespmem:s13+$0xFFFFFF10]  }
0x5f: {  	[tilespmem:s13+$0xFFFFFF80] =	vst v2;
	v2 =	vld [tilespmem:s13+$0xFFFFFF90];
	v1 =	vadd.f32 v1, v4  }
0x60: {  	v0 =	vadd.f32 v3, v0;
	v3 =	vld [tilespmem:s0+$0xFFFFFF90]  }
0x61: {  	[tilespmem:s13+$0x0] =	vst v1;
	v1 =	vld [tilespmem:s13+$0x10]  }
0x62: {  	[tilespmem:s13+$0xFFFFFF00] =	vst v0;
	v0 =	vld [tilespmem:s0+$0x10];
	v4 =	vadd.f32 v6, v5  }
0x63: {  	v5 =	vld [tilespmem:s0+$0xFFFFFF10]  }
0x64: {  	[tilespmem:s13+$0x90] =	vst v4;
	v4 =	vld [tilespmem:s13+$0xA0]  }
0x65: {  	v2 =	vadd.f32 v3, v2;
	v3 =	vld [tilespmem:s0+$0xA0]  }
0x66: {  	v6 =	vld [tilespmem:s13+$0xFFFFFF20]  }
0x67: {  	[tilespmem:s13+$0xFFFFFF90] =	vst v2;
	v2 =	vld [tilespmem:s13+$0xFFFFFFA0];
	v0 =	vadd.f32 v0, v1  }
0x68: {  	v1 =	vadd.f32 v5, v7;
	v5 =	vld [tilespmem:s0+$0xFFFFFFA0]  }
0x69: {  	[tilespmem:s13+$0x10] =	vst v0;
	v7 =	vld [tilespmem:s13+$0x20]  }
0x6a: {  	[tilespmem:s13+$0xFFFFFF10] =	vst v1;
	v8 =	vld [tilespmem:s0+$0x20];
	v0 =	vadd.f32 v3, v4  }
0x6b: {  	v3 =	vld [tilespmem:s0+$0xFFFFFF20]  }
0x6c: {  	[tilespmem:s13+$0xA0] =	vst v0;
	v9 =	vld [tilespmem:s13+$0xB0]  }
0x6d: {  	v1 =	vadd.f32 v5, v2;
	v5 =	vld [tilespmem:s0+$0xB0]  }
0x6e: {  	v0 =	vld [tilespmem:s13+$0xFFFFFF30]  }
.Ltmp5:
0x6f: {  	[tilespmem:s13+$0xFFFFFFA0] =	vst v1;
	v1 =	vld [tilespmem:s13+$0xFFFFFFB0];
	v2 =	vadd.f32 v8, v7;
	(pc) =	sbr.rel @p0 .LBB2_4-.Ltmp5, $4  }
0x70: {  	v4 =	vadd.f32 v3, v6;
	v3 =	vld [tilespmem:s0+$0xFFFFFFB0]  }
0x71: {  	[tilespmem:s13+$0x20] =	vst v2;
	v2 =	vld [tilespmem:s13+$0x30]  }
0x72: {  	[tilespmem:s13+$0xFFFFFF20] =	vst v4;
	v4 =	vld [tilespmem:s0+$0x30];
	v6 =	vadd.f32 v5, v9  }
0x73: {  	s13 =	sadd.s32 $0x200, s13;
	v5 =	vld [tilespmem:s0+$0xFFFFFF30]  }
0x74: {  	_ =	sdelay $0x1  }
0x75: {  	v1 =	vadd.f32 v3, v1  }
0x76: {  	[tilespmem:s3+$0xB0] =	vst v6;
	v2 =	vadd.f32 v4, v2  }
0x77: {  	[tilespmem:s3+$0xFFFFFFB0] =	vst v1;
	v0 =	vadd.f32 v5, v0  }
0x78: {  	s0 =	sshll.u32 s30, $0xD;
	[tilespmem:s3+$0x30] =	vst v2  }
0x79: {  	s13 =	simm.s32 $0x0;
	s2 =	sadd.s32 s7, s0;
	[tilespmem:s3+$0xFFFFFF30] =	vst v0  }
0x7a: {  	[hbm4b:s2+s13] =	stream.linear.scatter [tilespmem:s16], [sflag:$0x2], $0x4000, $0x38;
	[tilespmem:$0x1C400] =	vst v63  }
0x7b: {  	_ =	swait.ge [sflag:s22], $0x4000  }
0x7c: {  	[sflag:s22] =	ssyncset.done $0x0  }
0x7d: {  	s3 =	simm.s32 $0x0;
	[sflag:s22] =	ssyncadd.s32 $0xFFFFC000  }
0x7e: {  	v0 =	vld [tilespmem:s3+$0x45B0]  }
0x7f: {  	v1 =	vld [tilespmem:s3+$0x105B0]  }
0x80: {  	v2 =	vld [tilespmem:s3+$0x4400]  }
0x81: {  	v3 =	vld [tilespmem:s3+$0x10400]  }
0x82: {  	v4 =	vld [tilespmem:s3+$0x4410]  }
0x83: {  	v5 =	vld [tilespmem:s3+$0x10410]  }
0x84: {  	v6 =	vld [tilespmem:s3+$0x4420]  }
0x85: {  	v7 =	vld [tilespmem:s3+$0x10420]  }
0x86: {  	v8 =	vld [tilespmem:s3+$0x4430]  }
0x87: {  	v9 =	vld [tilespmem:s3+$0x10430]  }
0x88: {  	v10 =	vld [tilespmem:s3+$0x4480]  }
0x89: {  	v11 =	vld [tilespmem:s3+$0x10480]  }
0x8a: {  	v12 =	vld [tilespmem:s3+$0x4490]  }
0x8b: {  	v13 =	vld [tilespmem:s3+$0x10490]  }
0x8c: {  	v14 =	vld [tilespmem:s3+$0x44A0]  }
0x8d: {  	v15 =	vld [tilespmem:s3+$0x104A0]  }
0x8e: {  	v16 =	vld [tilespmem:s3+$0x44B0]  }
0x8f: {  	v61 =	vld [tilespmem:s3+$0x10520];
	v0 =	vadd.f32 v1, v0  }
0x90: {  	v1 =	vld [tilespmem:s3+$0x104B0];
	v2 =	vadd.f32 v3, v2  }
0x91: {  	v3 =	vld [tilespmem:s3+$0x4500];
	[tilespmem:s3+$0x45B0] =	vst v0;
	v0 =	vadd.f32 v5, v4  }
0x92: {  	v4 =	vld [tilespmem:s3+$0x10500];
	[tilespmem:s3+$0x4400] =	vst v2;
	v2 =	vadd.f32 v7, v6  }
0x93: {  	v5 =	vld [tilespmem:s3+$0x4510];
	[tilespmem:s3+$0x4410] =	vst v0;
	v0 =	vadd.f32 v9, v8  }
0x94: {  	v6 =	vld [tilespmem:s3+$0x10510];
	[tilespmem:s3+$0x4420] =	vst v2;
	v2 =	vadd.f32 v11, v10  }
0x95: {  	v7 =	vld [tilespmem:s3+$0x4520];
	v1 =	vadd.f32 v1, v16;
	[tilespmem:s3+$0x4430] =	vst v0  }
0x96: {  	v62 =	vld [tilespmem:s3+$0x4530];
	v0 =	vadd.f32 v13, v12;
	[tilespmem:s3+$0x4480] =	vst v2  }
0x97: {  	v63 =	vld [tilespmem:s3+$0x10530];
	v2 =	vadd.f32 v15, v14;
	[tilespmem:s3+$0x44B0] =	vst v1  }
0x98: {  	v3 =	vadd.f32 v4, v3;
	[tilespmem:s3+$0x4490] =	vst v0;
	v0 =	vld [tilespmem:s3+$0x4580]  }
0x99: {  	v4 =	vadd.f32 v6, v5;
	[tilespmem:s3+$0x44A0] =	vst v2;
	v2 =	vld [tilespmem:s3+$0x10580]  }
0x9a: {  	v5 =	vadd.f32 v61, v7;
	v1 =	vld [tilespmem:s3+$0x4590];
	[tilespmem:s3+$0x4500] =	vst v3  }
0x9b: {  	[tilespmem:s3+$0x4510] =	vst v4;
	v3 =	vld [tilespmem:s3+$0x10590]  }
0x9c: {  	s2 =	simm.s32 $0x0;
	s13 =	simm.s32 $0x800;
	[tilespmem:s3+$0x4520] =	vst v5;
	v5 =	vadd.f32 v63, v62;
	v4 =	vld [tilespmem:s3+$0x45A0]  }
.LBB2_6:
0x9d: {  	s8 =	sshra.s32 s13, $0x2;
	v6 =	vld [tilespmem:s3+$0x105A0]  }
0x9e: {  	s2 =	sadd.s32 $0x4, s2;
	v7 =	vld [tilespmem:s8+$0x45B0];
	[tilespmem:s3+$0x4530] =	vst v5;
	v0 =	vadd.f32 v2, v0  }
0x9f: {  	p0 =	slt.u32 s2, $0x7C;
	v2 =	vld [tilespmem:s8+$0x105B0]  }
0xa0: {  	v5 =	vld [tilespmem:s8+$0x4400];
	[tilespmem:s3+$0x4580] =	vst v0;
	v0 =	vadd.f32 v3, v1  }
0xa1: {  	v1 =	vld [tilespmem:s8+$0x10400]  }
0xa2: {  	v3 =	vld [tilespmem:s8+$0x4410];
	[tilespmem:s3+$0x4590] =	vst v0;
	v0 =	vadd.f32 v6, v4  }
0xa3: {  	v4 =	vld [tilespmem:s8+$0x10410]  }
0xa4: {  	v6 =	vld [tilespmem:s8+$0x4420];
	v2 =	vadd.f32 v2, v7;
	[tilespmem:s3+$0x45A0] =	vst v0;
	s3 =	smov.u32 s8  }
0xa5: {  	v0 =	vld [tilespmem:s3+$0x10420]  }
0xa6: {  	v1 =	vadd.f32 v1, v5;
	v5 =	vld [tilespmem:s3+$0x4430];
	[tilespmem:s3+$0x45B0] =	vst v2  }
0xa7: {  	v2 =	vld [tilespmem:s3+$0x10430]  }
0xa8: {  	[tilespmem:s3+$0x4400] =	vst v1;
	v1 =	vadd.f32 v4, v3;
	v3 =	vld [tilespmem:s3+$0x4480]  }
0xa9: {  	v4 =	vld [tilespmem:s3+$0x10480]  }
0xaa: {  	[tilespmem:s3+$0x4410] =	vst v1;
	v0 =	vadd.f32 v0, v6;
	v1 =	vld [tilespmem:s3+$0x4490]  }
0xab: {  	v6 =	vld [tilespmem:s3+$0x10490]  }
0xac: {  	[tilespmem:s3+$0x4420] =	vst v0;
	v0 =	vadd.f32 v2, v5;
	v2 =	vld [tilespmem:s3+$0x44A0]  }
0xad: {  	v5 =	vld [tilespmem:s3+$0x104A0]  }
0xae: {  	[tilespmem:s3+$0x4430] =	vst v0;
	v0 =	vadd.f32 v4, v3;
	v3 =	vld [tilespmem:s3+$0x44B0]  }
0xaf: {  	v4 =	vld [tilespmem:s3+$0x104B0]  }
0xb0: {  	[tilespmem:s3+$0x4480] =	vst v0;
	v0 =	vadd.f32 v6, v1;
	v1 =	vld [tilespmem:s3+$0x4500]  }
0xb1: {  	v6 =	vld [tilespmem:s3+$0x10500]  }
0xb2: {  	[tilespmem:s3+$0x4490] =	vst v0;
	v0 =	vadd.f32 v5, v2;
	v2 =	vld [tilespmem:s3+$0x4510]  }
0xb3: {  	v5 =	vld [tilespmem:s3+$0x10510]  }
0xb4: {  	[tilespmem:s3+$0x44A0] =	vst v0;
	v0 =	vadd.f32 v4, v3;
	v3 =	vld [tilespmem:s3+$0x4520]  }
0xb5: {  	v4 =	vld [tilespmem:s3+$0x10520]  }
0xb6: {  	[tilespmem:s3+$0x44B0] =	vst v0;
	v0 =	vadd.f32 v6, v1;
	v6 =	vld [tilespmem:s3+$0x4530]  }
0xb7: {  	v7 =	vld [tilespmem:s3+$0x10530]  }
.Ltmp6:
0xb8: {  	[tilespmem:s3+$0x4500] =	vst v0;
	v1 =	vadd.f32 v5, v2;
	v0 =	vld [tilespmem:s3+$0x4580];
	(pc) =	sbr.rel @p0 .LBB2_6-.Ltmp6, $4  }
0xb9: {  	v2 =	vld [tilespmem:s3+$0x10580]  }
0xba: {  	[tilespmem:s3+$0x4510] =	vst v1;
	v4 =	vadd.f32 v4, v3;
	v1 =	vld [tilespmem:s3+$0x4590]  }
0xbb: {  	v3 =	vld [tilespmem:s3+$0x10590]  }
0xbc: {  	s13 =	sadd.s32 $0x800, s13;
	[tilespmem:s3+$0x4520] =	vst v4;
	v5 =	vadd.f32 v7, v6;
	v4 =	vld [tilespmem:s3+$0x45A0]  }
0xbd: {  	v6 =	vld [tilespmem:s3+$0x105A0];
	_ =	sdelay $0x2  }
0xbe: {  	v0 =	vadd.f32 v2, v0  }
0xbf: {  	[tilespmem:s3+$0x4530] =	vst v5;
	v1 =	vadd.f32 v3, v1  }
0xc0: {  	[tilespmem:s3+$0x4580] =	vst v0;
	v0 =	vadd.f32 v6, v4  }
0xc1: {  	[tilespmem:s3+$0x4590] =	vst v1  }
0xc2: {  	s2 =	sadd.s32 s0, s9;
	s13 =	simm.s32 $0x0;
	[tilespmem:s3+$0x45A0] =	vst v0  }
0xc3: {  	[hbm4b:s2+s13] =	stream.linear.scatter [tilespmem:s19], [sflag:$0x2], $0x4000, $0x38;
	[tilespmem:$0x1C400] =	vst v63  }
0xc4: {  	_ =	swait.ge [sflag:s23], $0x4000  }
0xc5: {  	[sflag:s23] =	ssyncset.done $0x0  }
0xc6: {  	[sflag:s23] =	ssyncadd.s32 $0xFFFFC000  }
0xc7: {  	[tilespmem:s16], [sflag:$0x1] =	stream.indirect.gather [hbm4b:s5+s15], $0x80, s26, s15, $0xb8;
	[tilespmem:$0x1C400] =	vst v63  }
0xc8: {  	_ =	swait.ge [sflag:s22], $0x4000  }
0xc9: {  	[sflag:s22] =	ssyncset.done $0x0  }
0xca: {  	s3 =	simm.s32 $0x0;
	[sflag:s22] =	ssyncadd.s32 $0xFFFFC000  }
0xcb: {  	v0 =	vld [tilespmem:s3+$0x85B0]  }
0xcc: {  	v1 =	vld [tilespmem:s3+$0x145B0]  }
0xcd: {  	v2 =	vld [tilespmem:s3+$0x8400]  }
0xce: {  	v3 =	vld [tilespmem:s3+$0x14400]  }
0xcf: {  	v4 =	vld [tilespmem:s3+$0x8410]  }
0xd0: {  	v5 =	vld [tilespmem:s3+$0x14410]  }
0xd1: {  	v6 =	vld [tilespmem:s3+$0x8420]  }
0xd2: {  	v7 =	vld [tilespmem:s3+$0x14420]  }
0xd3: {  	v8 =	vld [tilespmem:s3+$0x8430]  }
0xd4: {  	v9 =	vld [tilespmem:s3+$0x14430]  }
0xd5: {  	v10 =	vld [tilespmem:s3+$0x8480]  }
0xd6: {  	v11 =	vld [tilespmem:s3+$0x14480]  }
0xd7: {  	v12 =	vld [tilespmem:s3+$0x8490]  }
0xd8: {  	v13 =	vld [tilespmem:s3+$0x14490]  }
0xd9: {  	v14 =	vld [tilespmem:s3+$0x84A0]  }
0xda: {  	v15 =	vld [tilespmem:s3+$0x144A0]  }
0xdb: {  	v16 =	vld [tilespmem:s3+$0x84B0]  }
0xdc: {  	v61 =	vld [tilespmem:s3+$0x14520];
	v0 =	vadd.f32 v1, v0  }
0xdd: {  	v1 =	vld [tilespmem:s3+$0x144B0];
	v2 =	vadd.f32 v3, v2  }
0xde: {  	v3 =	vld [tilespmem:s3+$0x8500];
	[tilespmem:s3+$0x85B0] =	vst v0;
	v0 =	vadd.f32 v5, v4  }
0xdf: {  	v4 =	vld [tilespmem:s3+$0x14500];
	[tilespmem:s3+$0x8400] =	vst v2;
	v2 =	vadd.f32 v7, v6  }
0xe0: {  	v5 =	vld [tilespmem:s3+$0x8510];
	[tilespmem:s3+$0x8410] =	vst v0;
	v0 =	vadd.f32 v9, v8  }
0xe1: {  	v6 =	vld [tilespmem:s3+$0x14510];
	[tilespmem:s3+$0x8420] =	vst v2;
	v2 =	vadd.f32 v11, v10  }
0xe2: {  	v7 =	vld [tilespmem:s3+$0x8520];
	v1 =	vadd.f32 v1, v16;
	[tilespmem:s3+$0x8430] =	vst v0  }
0xe3: {  	v62 =	vld [tilespmem:s3+$0x8530];
	v0 =	vadd.f32 v13, v12;
	[tilespmem:s3+$0x8480] =	vst v2  }
0xe4: {  	v63 =	vld [tilespmem:s3+$0x14530];
	v2 =	vadd.f32 v15, v14;
	[tilespmem:s3+$0x84B0] =	vst v1  }
0xe5: {  	v3 =	vadd.f32 v4, v3;
	[tilespmem:s3+$0x8490] =	vst v0;
	v0 =	vld [tilespmem:s3+$0x8580]  }
0xe6: {  	v4 =	vadd.f32 v6, v5;
	[tilespmem:s3+$0x84A0] =	vst v2;
	v2 =	vld [tilespmem:s3+$0x14580]  }
0xe7: {  	v5 =	vadd.f32 v61, v7;
	v1 =	vld [tilespmem:s3+$0x8590];
	[tilespmem:s3+$0x8500] =	vst v3  }
0xe8: {  	[tilespmem:s3+$0x8510] =	vst v4;
	v3 =	vld [tilespmem:s3+$0x14590]  }
0xe9: {  	s2 =	simm.s32 $0x0;
	s13 =	simm.s32 $0x800;
	[tilespmem:s3+$0x8520] =	vst v5;
	v5 =	vadd.f32 v63, v62;
	v4 =	vld [tilespmem:s3+$0x85A0]  }
.LBB2_8:
0xea: {  	s8 =	sshra.s32 s13, $0x2;
	v6 =	vld [tilespmem:s3+$0x145A0]  }
0xeb: {  	s2 =	sadd.s32 $0x4, s2;
	v7 =	vld [tilespmem:s8+$0x85B0];
	[tilespmem:s3+$0x8530] =	vst v5;
	v0 =	vadd.f32 v2, v0  }
0xec: {  	p0 =	slt.u32 s2, $0x7C;
	v2 =	vld [tilespmem:s8+$0x145B0]  }
0xed: {  	v5 =	vld [tilespmem:s8+$0x8400];
	[tilespmem:s3+$0x8580] =	vst v0;
	v0 =	vadd.f32 v3, v1  }
0xee: {  	v1 =	vld [tilespmem:s8+$0x14400]  }
0xef: {  	v3 =	vld [tilespmem:s8+$0x8410];
	[tilespmem:s3+$0x8590] =	vst v0;
	v0 =	vadd.f32 v6, v4  }
0xf0: {  	v4 =	vld [tilespmem:s8+$0x14410]  }
0xf1: {  	v6 =	vld [tilespmem:s8+$0x8420];
	v2 =	vadd.f32 v2, v7;
	[tilespmem:s3+$0x85A0] =	vst v0;
	s3 =	smov.u32 s8  }
0xf2: {  	v0 =	vld [tilespmem:s3+$0x14420]  }
0xf3: {  	v1 =	vadd.f32 v1, v5;
	v5 =	vld [tilespmem:s3+$0x8430];
	[tilespmem:s3+$0x85B0] =	vst v2  }
0xf4: {  	v2 =	vld [tilespmem:s3+$0x14430]  }
0xf5: {  	[tilespmem:s3+$0x8400] =	vst v1;
	v1 =	vadd.f32 v4, v3;
	v3 =	vld [tilespmem:s3+$0x8480]  }
0xf6: {  	v4 =	vld [tilespmem:s3+$0x14480]  }
0xf7: {  	[tilespmem:s3+$0x8410] =	vst v1;
	v0 =	vadd.f32 v0, v6;
	v1 =	vld [tilespmem:s3+$0x8490]  }
0xf8: {  	v6 =	vld [tilespmem:s3+$0x14490]  }
0xf9: {  	[tilespmem:s3+$0x8420] =	vst v0;
	v0 =	vadd.f32 v2, v5;
	v2 =	vld [tilespmem:s3+$0x84A0]  }
0xfa: {  	v5 =	vld [tilespmem:s3+$0x144A0]  }
0xfb: {  	[tilespmem:s3+$0x8430] =	vst v0;
	v0 =	vadd.f32 v4, v3;
	v3 =	vld [tilespmem:s3+$0x84B0]  }
0xfc: {  	v4 =	vld [tilespmem:s3+$0x144B0]  }
0xfd: {  	[tilespmem:s3+$0x8480] =	vst v0;
	v0 =	vadd.f32 v6, v1;
	v1 =	vld [tilespmem:s3+$0x8500]  }
0xfe: {  	v6 =	vld [tilespmem:s3+$0x14500]  }
0xff: {  	[tilespmem:s3+$0x8490] =	vst v0;
	v0 =	vadd.f32 v5, v2;
	v2 =	vld [tilespmem:s3+$0x8510]  }
0x100: {  	v5 =	vld [tilespmem:s3+$0x14510]  }
0x101: {  	[tilespmem:s3+$0x84A0] =	vst v0;
	v0 =	vadd.f32 v4, v3;
	v3 =	vld [tilespmem:s3+$0x8520]  }
0x102: {  	v4 =	vld [tilespmem:s3+$0x14520]  }
0x103: {  	[tilespmem:s3+$0x84B0] =	vst v0;
	v0 =	vadd.f32 v6, v1;
	v6 =	vld [tilespmem:s3+$0x8530]  }
0x104: {  	v7 =	vld [tilespmem:s3+$0x14530]  }
.Ltmp7:
0x105: {  	[tilespmem:s3+$0x8500] =	vst v0;
	v1 =	vadd.f32 v5, v2;
	v0 =	vld [tilespmem:s3+$0x8580];
	(pc) =	sbr.rel @p0 .LBB2_8-.Ltmp7, $4  }
0x106: {  	v2 =	vld [tilespmem:s3+$0x14580]  }
0x107: {  	[tilespmem:s3+$0x8510] =	vst v1;
	v4 =	vadd.f32 v4, v3;
	v1 =	vld [tilespmem:s3+$0x8590]  }
0x108: {  	v3 =	vld [tilespmem:s3+$0x14590]  }
0x109: {  	s13 =	sadd.s32 $0x800, s13;
	[tilespmem:s3+$0x8520] =	vst v4;
	v5 =	vadd.f32 v7, v6;
	v4 =	vld [tilespmem:s3+$0x85A0]  }
0x10a: {  	v6 =	vld [tilespmem:s3+$0x145A0];
	_ =	sdelay $0x2  }
0x10b: {  	v0 =	vadd.f32 v2, v0  }
0x10c: {  	[tilespmem:s3+$0x8530] =	vst v5;
	v1 =	vadd.f32 v3, v1  }
0x10d: {  	[tilespmem:s3+$0x8580] =	vst v0;
	v0 =	vadd.f32 v6, v4  }
0x10e: {  	[tilespmem:s3+$0x8590] =	vst v1  }
0x10f: {  	s2 =	sadd.s32 s0, s10;
	s13 =	simm.s32 $0x0;
	[tilespmem:s3+$0x85A0] =	vst v0  }
0x110: {  	[hbm4b:s2+s13] =	stream.linear.scatter [tilespmem:s21], [sflag:$0x2], $0x4000, $0x38;
	[tilespmem:$0x1C400] =	vst v63  }
0x111: {  	_ =	swait.ge [sflag:s22], $0x4000  }
0x112: {  	[sflag:s22] =	ssyncset.done $0x0  }
0x113: {  	s3 =	simm.s32 $0x0;
	[sflag:s22] =	ssyncadd.s32 $0xFFFFC000  }
0x114: {  	v0 =	vld [tilespmem:s3+$0x5B0]  }
0x115: {  	v1 =	vld [tilespmem:s3+$0x185B0]  }
0x116: {  	v2 =	vld [tilespmem:s3+$0x400]  }
0x117: {  	v3 =	vld [tilespmem:s3+$0x18400]  }
0x118: {  	v4 =	vld [tilespmem:s3+$0x410]  }
0x119: {  	v5 =	vld [tilespmem:s3+$0x18410]  }
0x11a: {  	v6 =	vld [tilespmem:s3+$0x420]  }
0x11b: {  	v7 =	vld [tilespmem:s3+$0x18420]  }
0x11c: {  	v8 =	vld [tilespmem:s3+$0x430]  }
0x11d: {  	v9 =	vld [tilespmem:s3+$0x18430]  }
0x11e: {  	v10 =	vld [tilespmem:s3+$0x480]  }
0x11f: {  	v11 =	vld [tilespmem:s3+$0x18480]  }
0x120: {  	v12 =	vld [tilespmem:s3+$0x490]  }
0x121: {  	v13 =	vld [tilespmem:s3+$0x18490]  }
0x122: {  	v14 =	vld [tilespmem:s3+$0x4A0]  }
0x123: {  	v15 =	vld [tilespmem:s3+$0x184A0]  }
0x124: {  	v16 =	vld [tilespmem:s3+$0x4B0]  }
0x125: {  	v61 =	vld [tilespmem:s3+$0x18520];
	v0 =	vadd.f32 v1, v0  }
0x126: {  	v1 =	vld [tilespmem:s3+$0x184B0];
	v2 =	vadd.f32 v3, v2  }
0x127: {  	v3 =	vld [tilespmem:s3+$0x500];
	[tilespmem:s3+$0x5B0] =	vst v0;
	v0 =	vadd.f32 v5, v4  }
0x128: {  	v4 =	vld [tilespmem:s3+$0x18500];
	[tilespmem:s3+$0x400] =	vst v2;
	v2 =	vadd.f32 v7, v6  }
0x129: {  	v5 =	vld [tilespmem:s3+$0x510];
	[tilespmem:s3+$0x410] =	vst v0;
	v0 =	vadd.f32 v9, v8  }
0x12a: {  	v6 =	vld [tilespmem:s3+$0x18510];
	[tilespmem:s3+$0x420] =	vst v2;
	v2 =	vadd.f32 v11, v10  }
0x12b: {  	v7 =	vld [tilespmem:s3+$0x520];
	v1 =	vadd.f32 v1, v16;
	[tilespmem:s3+$0x430] =	vst v0  }
0x12c: {  	v62 =	vld [tilespmem:s3+$0x530];
	v0 =	vadd.f32 v13, v12;
	[tilespmem:s3+$0x480] =	vst v2  }
0x12d: {  	v63 =	vld [tilespmem:s3+$0x18530];
	v2 =	vadd.f32 v15, v14;
	[tilespmem:s3+$0x4B0] =	vst v1  }
0x12e: {  	v3 =	vadd.f32 v4, v3;
	[tilespmem:s3+$0x490] =	vst v0;
	v0 =	vld [tilespmem:s3+$0x580]  }
0x12f: {  	v4 =	vadd.f32 v6, v5;
	[tilespmem:s3+$0x4A0] =	vst v2;
	v2 =	vld [tilespmem:s3+$0x18580]  }
0x130: {  	v5 =	vadd.f32 v61, v7;
	v1 =	vld [tilespmem:s3+$0x590];
	[tilespmem:s3+$0x500] =	vst v3  }
0x131: {  	[tilespmem:s3+$0x510] =	vst v4;
	v3 =	vld [tilespmem:s3+$0x18590]  }
0x132: {  	s2 =	simm.s32 $0x0;
	s13 =	simm.s32 $0x800;
	[tilespmem:s3+$0x520] =	vst v5;
	v5 =	vadd.f32 v63, v62;
	v4 =	vld [tilespmem:s3+$0x5A0]  }
.LBB2_10:
0x133: {  	s8 =	sshra.s32 s13, $0x2;
	v6 =	vld [tilespmem:s3+$0x185A0]  }
0x134: {  	s2 =	sadd.s32 $0x4, s2;
	v7 =	vld [tilespmem:s8+$0x5B0];
	[tilespmem:s3+$0x530] =	vst v5;
	v0 =	vadd.f32 v2, v0  }
0x135: {  	p0 =	slt.u32 s2, $0x7C;
	v2 =	vld [tilespmem:s8+$0x185B0]  }
0x136: {  	v5 =	vld [tilespmem:s8+$0x400];
	[tilespmem:s3+$0x580] =	vst v0;
	v0 =	vadd.f32 v3, v1  }
0x137: {  	v1 =	vld [tilespmem:s8+$0x18400]  }
0x138: {  	v3 =	vld [tilespmem:s8+$0x410];
	[tilespmem:s3+$0x590] =	vst v0;
	v0 =	vadd.f32 v6, v4  }
0x139: {  	v4 =	vld [tilespmem:s8+$0x18410]  }
0x13a: {  	v6 =	vld [tilespmem:s8+$0x420];
	v2 =	vadd.f32 v2, v7;
	[tilespmem:s3+$0x5A0] =	vst v0;
	s3 =	smov.u32 s8  }
0x13b: {  	v0 =	vld [tilespmem:s3+$0x18420]  }
0x13c: {  	v1 =	vadd.f32 v1, v5;
	v5 =	vld [tilespmem:s3+$0x430];
	[tilespmem:s3+$0x5B0] =	vst v2  }
0x13d: {  	v2 =	vld [tilespmem:s3+$0x18430]  }
0x13e: {  	[tilespmem:s3+$0x400] =	vst v1;
	v1 =	vadd.f32 v4, v3;
	v3 =	vld [tilespmem:s3+$0x480]  }
0x13f: {  	v4 =	vld [tilespmem:s3+$0x18480]  }
0x140: {  	[tilespmem:s3+$0x410] =	vst v1;
	v0 =	vadd.f32 v0, v6;
	v1 =	vld [tilespmem:s3+$0x490]  }
0x141: {  	v6 =	vld [tilespmem:s3+$0x18490]  }
0x142: {  	[tilespmem:s3+$0x420] =	vst v0;
	v0 =	vadd.f32 v2, v5;
	v2 =	vld [tilespmem:s3+$0x4A0]  }
0x143: {  	v5 =	vld [tilespmem:s3+$0x184A0]  }
0x144: {  	[tilespmem:s3+$0x430] =	vst v0;
	v0 =	vadd.f32 v4, v3;
	v3 =	vld [tilespmem:s3+$0x4B0]  }
0x145: {  	v4 =	vld [tilespmem:s3+$0x184B0]  }
0x146: {  	[tilespmem:s3+$0x480] =	vst v0;
	v0 =	vadd.f32 v6, v1;
	v1 =	vld [tilespmem:s3+$0x500]  }
0x147: {  	v6 =	vld [tilespmem:s3+$0x18500]  }
0x148: {  	[tilespmem:s3+$0x490] =	vst v0;
	v0 =	vadd.f32 v5, v2;
	v2 =	vld [tilespmem:s3+$0x510]  }
0x149: {  	v5 =	vld [tilespmem:s3+$0x18510]  }
0x14a: {  	[tilespmem:s3+$0x4A0] =	vst v0;
	v0 =	vadd.f32 v4, v3;
	v3 =	vld [tilespmem:s3+$0x520]  }
0x14b: {  	v4 =	vld [tilespmem:s3+$0x18520]  }
0x14c: {  	[tilespmem:s3+$0x4B0] =	vst v0;
	v0 =	vadd.f32 v6, v1;
	v6 =	vld [tilespmem:s3+$0x530]  }
0x14d: {  	v7 =	vld [tilespmem:s3+$0x18530]  }
.Ltmp8:
0x14e: {  	[tilespmem:s3+$0x500] =	vst v0;
	v1 =	vadd.f32 v5, v2;
	v0 =	vld [tilespmem:s3+$0x580];
	(pc) =	sbr.rel @p0 .LBB2_10-.Ltmp8, $4  }
0x14f: {  	v2 =	vld [tilespmem:s3+$0x18580]  }
0x150: {  	[tilespmem:s3+$0x510] =	vst v1;
	v4 =	vadd.f32 v4, v3;
	v1 =	vld [tilespmem:s3+$0x590]  }
0x151: {  	v3 =	vld [tilespmem:s3+$0x18590]  }
0x152: {  	s13 =	sadd.s32 $0x800, s13;
	[tilespmem:s3+$0x520] =	vst v4;
	v5 =	vadd.f32 v7, v6;
	v4 =	vld [tilespmem:s3+$0x5A0]  }
0x153: {  	v6 =	vld [tilespmem:s3+$0x185A0];
	_ =	sdelay $0x2  }
0x154: {  	v0 =	vadd.f32 v2, v0  }
0x155: {  	[tilespmem:s3+$0x530] =	vst v5;
	v1 =	vadd.f32 v3, v1  }
0x156: {  	[tilespmem:s3+$0x580] =	vst v0;
	v63 =	vadd.f32 v6, v4  }
0x157: {  	[tilespmem:s3+$0x590] =	vst v1  }
0x158: {  	s0 =	sadd.s32 s0, s11;
	[tilespmem:s3+$0x5A0] =	vst v63  }
0x159: {  	[hbm4b:s0+s4] =	stream.linear.scatter [tilespmem:s16], [sflag:$0x2], $0x4000, $0x38;
	[tilespmem:$0x1C400] =	vst v63  }
0x15a: {  	_ =	swait.ge [sflag:s23], $0x4000  }
0x15b: {  	[sflag:s23] =	ssyncset.done $0x0  }
0x15c: {  	[sflag:s23] =	ssyncadd.s32 $0xFFFFC000  }
0x15d: {  	p0 =	seq.s32 s31, $0x0;
	_ =	swait.ge [sflag:s23], $0x4000  }
.Ltmp9:
0x15e: {  	[sflag:s23] =	ssyncset.done $0x0;
	(pc) =	sbr.rel @p0 .LBB2_21-.Ltmp9, $4  }
0x15f: {  	[sflag:s23] =	ssyncadd.s32 $0xFFFFC000  }
0x160: {  	_ =	swait.ge [sflag:s23], $0x4000  }
0x161: {  	[sflag:s23] =	ssyncset.done $0x0  }
0x162: {  	[sflag:s23] =	ssyncadd.s32 $0xFFFFC000  }
.LBB2_12:
0x163: {  	[tilespmem:s16], [sflag:$0x1] =	stream.indirect.gather [hbm4b:s5+s15], $0x80, s17, s15, $0xb8;
	[tilespmem:$0x1C400] =	vst v63  }
0x164: {  	p0 =	seq.s32 s29, $0x1F  }
0x165: {  	s0 =	sadd.s32 @!p0 $0x1, s30  }
0x166: {  	[tilespmem:s19], [sflag:$0x1] =	stream.indirect.gather [hbm4b:s5+s15], $0x80, s18, s15, $0xb8;
	[tilespmem:$0x1C400] =	vst v63  }
0x167: {  	s2 =	sshll.u32 @!p0 s0, $0x4  }
0x168: {  	s0 =	sshll.u32 @!p0 s0, $0x6;
	s2 =	sand.u32 @!p0 $0x70, s2  }
0x169: {  	[tilespmem:s21], [sflag:$0x1] =	stream.indirect.gather [hbm4b:s5+s15], $0x80, s20, s15, $0xb8;
	[tilespmem:$0x1C400] =	vst v63  }
0x16a: {  	s3 =	simm.s32 @!p0 $0x400;
	s0 =	sand.u32 @!p0 $0xFFFFE00, s0;
	s2 =	sadd.s32 @!p0 s1, s2  }
0x16b: {  	s8 =	simm.s32 @!p0 $0x0;
	s0 =	sadd.s32 @!p0 s0, s2;
	s2 =	simm.s32 @!p0 $0x80  }
0x16c: {  	[tilespmem:s8], [sflag:$0x3] =	stream.strided.gather @!p0 [hbm4b:s0+s2], $0x200, s3, s2, $0x38;
	[tilespmem:$0x1C400] =	vst v63  }
0x16d: {  	s0 =	simm.s32 @!p0 $0x3  }
0x16e: {  	_ =	swait.ge @!p0 [sflag:s0], $0x200  }
0x16f: {  	[sflag:s0] =	ssyncset.done @!p0 $0x0  }
0x170: {  	[sflag:s0] =	ssyncadd.s32 @!p0 $0xFFFFFE00  }
0x171: {  	_ =	swait.ge [sflag:s22], $0x4000  }
0x172: {  	[sflag:s22] =	ssyncset.done $0x0  }
0x173: {  	s3 =	simm.s32 $0x500;
	[sflag:s22] =	ssyncadd.s32 $0xFFFFC000  }
0x174: {  	s0 =	simm.s32 $0xC500;
	v0 =	vld [tilespmem:s3+$0x80]  }
0x175: {  	v1 =	vld [tilespmem:s0+$0x80]  }
0x176: {  	v2 =	vld [tilespmem:s3+$0xFFFFFF80]  }
0x177: {  	v3 =	vld [tilespmem:s0+$0xFFFFFF80]  }
0x178: {  	v4 =	vld [tilespmem:s3+$0x0]  }
0x179: {  	v5 =	vld [tilespmem:s0+$0x0]  }
0x17a: {  	v6 =	vld [tilespmem:s3+$0xFFFFFF00];
	v0 =	vadd.f32 v1, v0  }
0x17b: {  	v1 =	vld [tilespmem:s0+$0xFFFFFF00]  }
0x17c: {  	[tilespmem:s3+$0x80] =	vst v0;
	v0 =	vld [tilespmem:s3+$0x90]  }
0x17d: {  	v2 =	vadd.f32 v3, v2;
	v3 =	vld [tilespmem:s0+$0x90]  }
0x17e: {  	v7 =	vld [tilespmem:s3+$0xFFFFFF10]  }
0x17f: {  	[tilespmem:s3+$0xFFFFFF80] =	vst v2;
	v2 =	vadd.f32 v5, v4;
	v4 =	vld [tilespmem:s3+$0xFFFFFF90]  }
0x180: {  	v5 =	vld [tilespmem:s0+$0xFFFFFF90];
	v1 =	vadd.f32 v1, v6  }
0x181: {  	[tilespmem:s3+$0x0] =	vst v2;
	v2 =	vld [tilespmem:s3+$0x10]  }
0x182: {  	v6 =	vld [tilespmem:s0+$0x10];
	[tilespmem:s3+$0xFFFFFF00] =	vst v1;
	v0 =	vadd.f32 v3, v0  }
0x183: {  	v1 =	vld [tilespmem:s0+$0xFFFFFF10]  }
0x184: {  	[tilespmem:s3+$0x90] =	vst v0;
	v0 =	vld [tilespmem:s3+$0xA0]  }
0x185: {  	v3 =	vadd.f32 v5, v4;
	v4 =	vld [tilespmem:s0+$0xA0]  }
0x186: {  	v5 =	vld [tilespmem:s3+$0xFFFFFF20]  }
0x187: {  	[tilespmem:s3+$0xFFFFFF90] =	vst v3;
	v2 =	vadd.f32 v6, v2;
	v3 =	vld [tilespmem:s3+$0xFFFFFFA0]  }
0x188: {  	v6 =	vld [tilespmem:s0+$0xFFFFFFA0];
	v1 =	vadd.f32 v1, v7  }
0x189: {  	[tilespmem:s3+$0x10] =	vst v2;
	v2 =	vld [tilespmem:s3+$0x20]  }
0x18a: {  	v7 =	vld [tilespmem:s0+$0x20];
	[tilespmem:s3+$0xFFFFFF10] =	vst v1;
	v0 =	vadd.f32 v4, v0  }
0x18b: {  	v4 =	vld [tilespmem:s0+$0xFFFFFF20]  }
0x18c: {  	v8 =	vld [tilespmem:s3+$0xB0];
	[tilespmem:s3+$0xA0] =	vst v0  }
0x18d: {  	v1 =	vadd.f32 v6, v3;
	v6 =	vld [tilespmem:s0+$0xB0]  }
0x18e: {  	v0 =	vld [tilespmem:s3+$0xFFFFFF30]  }
0x18f: {  	[tilespmem:s3+$0xFFFFFFA0] =	vst v1;
	v2 =	vadd.f32 v7, v2;
	v1 =	vld [tilespmem:s3+$0xFFFFFFB0]  }
0x190: {  	v3 =	vld [tilespmem:s0+$0xFFFFFFB0];
	v4 =	vadd.f32 v4, v5  }
0x191: {  	[tilespmem:s3+$0x20] =	vst v2;
	v2 =	vld [tilespmem:s3+$0x30]  }
0x192: {  	[tilespmem:s3+$0xFFFFFF20] =	vst v4;
	v4 =	vld [tilespmem:s0+$0x30];
	v6 =	vadd.f32 v6, v8  }
0x193: {  	s13 =	simm.s32 $0x700;
	s2 =	simm.s32 $0x0;
	v5 =	vld [tilespmem:s0+$0xFFFFFF30]  }
.LBB2_13:
0x194: {  	v7 =	vld [tilespmem:s13+$0x80];
	[tilespmem:s3+$0xB0] =	vst v6;
	s0 =	sadd.s32 $0x200, s0  }
0x195: {  	s2 =	sadd.s32 $0x4, s2;
	v6 =	vld [tilespmem:s0+$0x80];
	v1 =	vadd.f32 v3, v1  }
0x196: {  	p0 =	slt.u32 s2, $0x7C;
	v3 =	vld [tilespmem:s0+$0xFFFFFF00]  }
0x197: {  	v8 =	vld [tilespmem:s13+$0xFFFFFF80];
	[tilespmem:s3+$0xFFFFFFB0] =	vst v1;
	v1 =	vadd.f32 v4, v2  }
0x198: {  	v2 =	vld [tilespmem:s0+$0xFFFFFF80];
	v0 =	vadd.f32 v5, v0  }
0x199: {  	v4 =	vld [tilespmem:s13+$0x0];
	[tilespmem:s3+$0x30] =	vst v1  }
0x19a: {  	v1 =	vld [tilespmem:s0+$0x0];
	v5 =	vadd.f32 v6, v7;
	[tilespmem:s3+$0xFFFFFF30] =	vst v0;
	s3 =	smov.u32 s13  }
0x19b: {  	v0 =	vld [tilespmem:s13+$0xFFFFFF00]  }
0x19c: {  	[tilespmem:s13+$0x80] =	vst v5;
	v5 =	vld [tilespmem:s13+$0x90]  }
0x19d: {  	v2 =	vadd.f32 v2, v8;
	v6 =	vld [tilespmem:s0+$0x90]  }
0x19e: {  	v7 =	vld [tilespmem:s13+$0xFFFFFF10]  }
0x19f: {  	[tilespmem:s13+$0xFFFFFF80] =	vst v2;
	v2 =	vld [tilespmem:s13+$0xFFFFFF90];
	v1 =	vadd.f32 v1, v4  }
0x1a0: {  	v0 =	vadd.f32 v3, v0;
	v3 =	vld [tilespmem:s0+$0xFFFFFF90]  }
0x1a1: {  	[tilespmem:s13+$0x0] =	vst v1;
	v1 =	vld [tilespmem:s13+$0x10]  }
0x1a2: {  	[tilespmem:s13+$0xFFFFFF00] =	vst v0;
	v0 =	vld [tilespmem:s0+$0x10];
	v4 =	vadd.f32 v6, v5  }
0x1a3: {  	v5 =	vld [tilespmem:s0+$0xFFFFFF10]  }
0x1a4: {  	[tilespmem:s13+$0x90] =	vst v4;
	v4 =	vld [tilespmem:s13+$0xA0]  }
0x1a5: {  	v2 =	vadd.f32 v3, v2;
	v3 =	vld [tilespmem:s0+$0xA0]  }
0x1a6: {  	v6 =	vld [tilespmem:s13+$0xFFFFFF20]  }
0x1a7: {  	[tilespmem:s13+$0xFFFFFF90] =	vst v2;
	v2 =	vld [tilespmem:s13+$0xFFFFFFA0];
	v0 =	vadd.f32 v0, v1  }
0x1a8: {  	v1 =	vadd.f32 v5, v7;
	v5 =	vld [tilespmem:s0+$0xFFFFFFA0]  }
0x1a9: {  	[tilespmem:s13+$0x10] =	vst v0;
	v7 =	vld [tilespmem:s13+$0x20]  }
0x1aa: {  	[tilespmem:s13+$0xFFFFFF10] =	vst v1;
	v8 =	vld [tilespmem:s0+$0x20];
	v0 =	vadd.f32 v3, v4  }
0x1ab: {  	v3 =	vld [tilespmem:s0+$0xFFFFFF20]  }
0x1ac: {  	[tilespmem:s13+$0xA0] =	vst v0;
	v9 =	vld [tilespmem:s13+$0xB0]  }
0x1ad: {  	v1 =	vadd.f32 v5, v2;
	v5 =	vld [tilespmem:s0+$0xB0]  }
0x1ae: {  	v0 =	vld [tilespmem:s13+$0xFFFFFF30]  }
.Ltmp10:
0x1af: {  	[tilespmem:s13+$0xFFFFFFA0] =	vst v1;
	v1 =	vld [tilespmem:s13+$0xFFFFFFB0];
	v2 =	vadd.f32 v8, v7;
	(pc) =	sbr.rel @p0 .LBB2_13-.Ltmp10, $4  }
0x1b0: {  	v4 =	vadd.f32 v3, v6;
	v3 =	vld [tilespmem:s0+$0xFFFFFFB0]  }
0x1b1: {  	[tilespmem:s13+$0x20] =	vst v2;
	v2 =	vld [tilespmem:s13+$0x30]  }
0x1b2: {  	[tilespmem:s13+$0xFFFFFF20] =	vst v4;
	v4 =	vld [tilespmem:s0+$0x30];
	v6 =	vadd.f32 v5, v9  }
0x1b3: {  	s13 =	sadd.s32 $0x200, s13;
	v5 =	vld [tilespmem:s0+$0xFFFFFF30]  }
0x1b4: {  	_ =	sdelay $0x1  }
0x1b5: {  	v1 =	vadd.f32 v3, v1  }
0x1b6: {  	[tilespmem:s3+$0xB0] =	vst v6;
	v2 =	vadd.f32 v4, v2  }
0x1b7: {  	[tilespmem:s3+$0xFFFFFFB0] =	vst v1;
	v0 =	vadd.f32 v5, v0  }
0x1b8: {  	s0 =	sshll.u32 s30, $0xD;
	[tilespmem:s3+$0x30] =	vst v2  }
0x1b9: {  	s31 =	simm.s32 $0x0;
	s2 =	sadd.s32 s7, s0;
	[tilespmem:s3+$0xFFFFFF30] =	vst v0  }
0x1ba: {  	[hbm4b:s2+s31] =	stream.linear.scatter [tilespmem:s16], [sflag:$0x2], $0x4000, $0x38;
	[tilespmem:$0x1C400] =	vst v63  }
0x1bb: {  	_ =	swait.ge [sflag:s22], $0x4000  }
0x1bc: {  	[sflag:s22] =	ssyncset.done $0x0  }
0x1bd: {  	s3 =	simm.s32 $0x0;
	[sflag:s22] =	ssyncadd.s32 $0xFFFFC000  }
0x1be: {  	v0 =	vld [tilespmem:s3+$0x45B0]  }
0x1bf: {  	v1 =	vld [tilespmem:s3+$0x105B0]  }
0x1c0: {  	v2 =	vld [tilespmem:s3+$0x4400]  }
0x1c1: {  	v3 =	vld [tilespmem:s3+$0x10400]  }
0x1c2: {  	v4 =	vld [tilespmem:s3+$0x4410]  }
0x1c3: {  	v5 =	vld [tilespmem:s3+$0x10410]  }
0x1c4: {  	v6 =	vld [tilespmem:s3+$0x4420]  }
0x1c5: {  	v7 =	vld [tilespmem:s3+$0x10420]  }
0x1c6: {  	v8 =	vld [tilespmem:s3+$0x4430]  }
0x1c7: {  	v9 =	vld [tilespmem:s3+$0x10430]  }
0x1c8: {  	v10 =	vld [tilespmem:s3+$0x4480]  }
0x1c9: {  	v11 =	vld [tilespmem:s3+$0x10480]  }
0x1ca: {  	v12 =	vld [tilespmem:s3+$0x4490]  }
0x1cb: {  	v13 =	vld [tilespmem:s3+$0x10490]  }
0x1cc: {  	v14 =	vld [tilespmem:s3+$0x44A0]  }
0x1cd: {  	v15 =	vld [tilespmem:s3+$0x104A0]  }
0x1ce: {  	v16 =	vld [tilespmem:s3+$0x44B0]  }
0x1cf: {  	v61 =	vld [tilespmem:s3+$0x10520];
	v0 =	vadd.f32 v1, v0  }
0x1d0: {  	v1 =	vld [tilespmem:s3+$0x104B0];
	v2 =	vadd.f32 v3, v2  }
0x1d1: {  	v3 =	vld [tilespmem:s3+$0x4500];
	[tilespmem:s3+$0x45B0] =	vst v0;
	v0 =	vadd.f32 v5, v4  }
0x1d2: {  	v4 =	vld [tilespmem:s3+$0x10500];
	[tilespmem:s3+$0x4400] =	vst v2;
	v2 =	vadd.f32 v7, v6  }
0x1d3: {  	v5 =	vld [tilespmem:s3+$0x4510];
	[tilespmem:s3+$0x4410] =	vst v0;
	v0 =	vadd.f32 v9, v8  }
0x1d4: {  	v6 =	vld [tilespmem:s3+$0x10510];
	[tilespmem:s3+$0x4420] =	vst v2;
	v2 =	vadd.f32 v11, v10  }
0x1d5: {  	v7 =	vld [tilespmem:s3+$0x4520];
	v1 =	vadd.f32 v1, v16;
	[tilespmem:s3+$0x4430] =	vst v0  }
0x1d6: {  	v62 =	vld [tilespmem:s3+$0x4530];
	v0 =	vadd.f32 v13, v12;
	[tilespmem:s3+$0x4480] =	vst v2  }
0x1d7: {  	v63 =	vld [tilespmem:s3+$0x10530];
	v2 =	vadd.f32 v15, v14;
	[tilespmem:s3+$0x44B0] =	vst v1  }
0x1d8: {  	v3 =	vadd.f32 v4, v3;
	[tilespmem:s3+$0x4490] =	vst v0;
	v0 =	vld [tilespmem:s3+$0x4580]  }
0x1d9: {  	v4 =	vadd.f32 v6, v5;
	[tilespmem:s3+$0x44A0] =	vst v2;
	v2 =	vld [tilespmem:s3+$0x10580]  }
0x1da: {  	v5 =	vadd.f32 v61, v7;
	v1 =	vld [tilespmem:s3+$0x4590];
	[tilespmem:s3+$0x4500] =	vst v3  }
0x1db: {  	[tilespmem:s3+$0x4510] =	vst v4;
	v3 =	vld [tilespmem:s3+$0x10590]  }
0x1dc: {  	s13 =	simm.s32 $0x800;
	s2 =	simm.s32 $0x0;
	[tilespmem:s3+$0x4520] =	vst v5;
	v5 =	vadd.f32 v63, v62;
	v4 =	vld [tilespmem:s3+$0x45A0]  }
.LBB2_15:
0x1dd: {  	s8 =	sshra.s32 s13, $0x2;
	v6 =	vld [tilespmem:s3+$0x105A0]  }
0x1de: {  	s2 =	sadd.s32 $0x4, s2;
	v7 =	vld [tilespmem:s8+$0x45B0];
	[tilespmem:s3+$0x4530] =	vst v5;
	v0 =	vadd.f32 v2, v0  }
0x1df: {  	p0 =	slt.u32 s2, $0x7C;
	v2 =	vld [tilespmem:s8+$0x105B0]  }
0x1e0: {  	v5 =	vld [tilespmem:s8+$0x4400];
	[tilespmem:s3+$0x4580] =	vst v0;
	v0 =	vadd.f32 v3, v1  }
0x1e1: {  	v1 =	vld [tilespmem:s8+$0x10400]  }
0x1e2: {  	v3 =	vld [tilespmem:s8+$0x4410];
	[tilespmem:s3+$0x4590] =	vst v0;
	v0 =	vadd.f32 v6, v4  }
0x1e3: {  	v4 =	vld [tilespmem:s8+$0x10410]  }
0x1e4: {  	v6 =	vld [tilespmem:s8+$0x4420];
	v2 =	vadd.f32 v2, v7;
	[tilespmem:s3+$0x45A0] =	vst v0;
	s3 =	smov.u32 s8  }
0x1e5: {  	v0 =	vld [tilespmem:s3+$0x10420]  }
0x1e6: {  	v1 =	vadd.f32 v1, v5;
	v5 =	vld [tilespmem:s3+$0x4430];
	[tilespmem:s3+$0x45B0] =	vst v2  }
0x1e7: {  	v2 =	vld [tilespmem:s3+$0x10430]  }
0x1e8: {  	[tilespmem:s3+$0x4400] =	vst v1;
	v1 =	vadd.f32 v4, v3;
	v3 =	vld [tilespmem:s3+$0x4480]  }
0x1e9: {  	v4 =	vld [tilespmem:s3+$0x10480]  }
0x1ea: {  	[tilespmem:s3+$0x4410] =	vst v1;
	v0 =	vadd.f32 v0, v6;
	v1 =	vld [tilespmem:s3+$0x4490]  }
0x1eb: {  	v6 =	vld [tilespmem:s3+$0x10490]  }
0x1ec: {  	[tilespmem:s3+$0x4420] =	vst v0;
	v0 =	vadd.f32 v2, v5;
	v2 =	vld [tilespmem:s3+$0x44A0]  }
0x1ed: {  	v5 =	vld [tilespmem:s3+$0x104A0]  }
0x1ee: {  	[tilespmem:s3+$0x4430] =	vst v0;
	v0 =	vadd.f32 v4, v3;
	v3 =	vld [tilespmem:s3+$0x44B0]  }
0x1ef: {  	v4 =	vld [tilespmem:s3+$0x104B0]  }
0x1f0: {  	[tilespmem:s3+$0x4480] =	vst v0;
	v0 =	vadd.f32 v6, v1;
	v1 =	vld [tilespmem:s3+$0x4500]  }
0x1f1: {  	v6 =	vld [tilespmem:s3+$0x10500]  }
0x1f2: {  	[tilespmem:s3+$0x4490] =	vst v0;
	v0 =	vadd.f32 v5, v2;
	v2 =	vld [tilespmem:s3+$0x4510]  }
0x1f3: {  	v5 =	vld [tilespmem:s3+$0x10510]  }
0x1f4: {  	[tilespmem:s3+$0x44A0] =	vst v0;
	v0 =	vadd.f32 v4, v3;
	v3 =	vld [tilespmem:s3+$0x4520]  }
0x1f5: {  	v4 =	vld [tilespmem:s3+$0x10520]  }
0x1f6: {  	[tilespmem:s3+$0x44B0] =	vst v0;
	v0 =	vadd.f32 v6, v1;
	v6 =	vld [tilespmem:s3+$0x4530]  }
0x1f7: {  	v7 =	vld [tilespmem:s3+$0x10530]  }
.Ltmp11:
0x1f8: {  	[tilespmem:s3+$0x4500] =	vst v0;
	v1 =	vadd.f32 v5, v2;
	v0 =	vld [tilespmem:s3+$0x4580];
	(pc) =	sbr.rel @p0 .LBB2_15-.Ltmp11, $4  }
0x1f9: {  	v2 =	vld [tilespmem:s3+$0x10580]  }
0x1fa: {  	[tilespmem:s3+$0x4510] =	vst v1;
	v4 =	vadd.f32 v4, v3;
	v1 =	vld [tilespmem:s3+$0x4590]  }
0x1fb: {  	v3 =	vld [tilespmem:s3+$0x10590]  }
0x1fc: {  	s13 =	sadd.s32 $0x800, s13;
	[tilespmem:s3+$0x4520] =	vst v4;
	v5 =	vadd.f32 v7, v6;
	v4 =	vld [tilespmem:s3+$0x45A0]  }
0x1fd: {  	v6 =	vld [tilespmem:s3+$0x105A0];
	_ =	sdelay $0x2  }
0x1fe: {  	v0 =	vadd.f32 v2, v0  }
0x1ff: {  	[tilespmem:s3+$0x4530] =	vst v5;
	v1 =	vadd.f32 v3, v1  }
0x200: {  	[tilespmem:s3+$0x4580] =	vst v0;
	v0 =	vadd.f32 v6, v4  }
0x201: {  	[tilespmem:s3+$0x4590] =	vst v1  }
0x202: {  	s2 =	sadd.s32 s0, s9;
	s31 =	simm.s32 $0x0;
	[tilespmem:s3+$0x45A0] =	vst v0  }
0x203: {  	[hbm4b:s2+s31] =	stream.linear.scatter [tilespmem:s19], [sflag:$0x2], $0x4000, $0x38;
	[tilespmem:$0x1C400] =	vst v63  }
0x204: {  	_ =	swait.ge [sflag:s23], $0x4000  }
0x205: {  	[sflag:s23] =	ssyncset.done $0x0  }
0x206: {  	[sflag:s23] =	ssyncadd.s32 $0xFFFFC000  }
0x207: {  	[tilespmem:s16], [sflag:$0x1] =	stream.indirect.gather [hbm4b:s5+s15], $0x80, s24, s15, $0xb8;
	[tilespmem:$0x1C400] =	vst v63  }
0x208: {  	_ =	swait.ge [sflag:s22], $0x4000  }
0x209: {  	[sflag:s22] =	ssyncset.done $0x0  }
0x20a: {  	s3 =	simm.s32 $0x0;
	[sflag:s22] =	ssyncadd.s32 $0xFFFFC000  }
0x20b: {  	v0 =	vld [tilespmem:s3+$0x85B0]  }
0x20c: {  	v1 =	vld [tilespmem:s3+$0x145B0]  }
0x20d: {  	v2 =	vld [tilespmem:s3+$0x8400]  }
0x20e: {  	v3 =	vld [tilespmem:s3+$0x14400]  }
0x20f: {  	v4 =	vld [tilespmem:s3+$0x8410]  }
0x210: {  	v5 =	vld [tilespmem:s3+$0x14410]  }
0x211: {  	v6 =	vld [tilespmem:s3+$0x8420]  }
0x212: {  	v7 =	vld [tilespmem:s3+$0x14420]  }
0x213: {  	v8 =	vld [tilespmem:s3+$0x8430]  }
0x214: {  	v9 =	vld [tilespmem:s3+$0x14430]  }
0x215: {  	v10 =	vld [tilespmem:s3+$0x8480]  }
0x216: {  	v11 =	vld [tilespmem:s3+$0x14480]  }
0x217: {  	v12 =	vld [tilespmem:s3+$0x8490]  }
0x218: {  	v13 =	vld [tilespmem:s3+$0x14490]  }
0x219: {  	v14 =	vld [tilespmem:s3+$0x84A0]  }
0x21a: {  	v15 =	vld [tilespmem:s3+$0x144A0]  }
0x21b: {  	v16 =	vld [tilespmem:s3+$0x84B0]  }
0x21c: {  	v61 =	vld [tilespmem:s3+$0x14520];
	v0 =	vadd.f32 v1, v0  }
0x21d: {  	v1 =	vld [tilespmem:s3+$0x144B0];
	v2 =	vadd.f32 v3, v2  }
0x21e: {  	v3 =	vld [tilespmem:s3+$0x8500];
	[tilespmem:s3+$0x85B0] =	vst v0;
	v0 =	vadd.f32 v5, v4  }
0x21f: {  	v4 =	vld [tilespmem:s3+$0x14500];
	[tilespmem:s3+$0x8400] =	vst v2;
	v2 =	vadd.f32 v7, v6  }
0x220: {  	v5 =	vld [tilespmem:s3+$0x8510];
	[tilespmem:s3+$0x8410] =	vst v0;
	v0 =	vadd.f32 v9, v8  }
0x221: {  	v6 =	vld [tilespmem:s3+$0x14510];
	[tilespmem:s3+$0x8420] =	vst v2;
	v2 =	vadd.f32 v11, v10  }
0x222: {  	v7 =	vld [tilespmem:s3+$0x8520];
	v1 =	vadd.f32 v1, v16;
	[tilespmem:s3+$0x8430] =	vst v0  }
0x223: {  	v62 =	vld [tilespmem:s3+$0x8530];
	v0 =	vadd.f32 v13, v12;
	[tilespmem:s3+$0x8480] =	vst v2  }
0x224: {  	v63 =	vld [tilespmem:s3+$0x14530];
	v2 =	vadd.f32 v15, v14;
	[tilespmem:s3+$0x84B0] =	vst v1  }
0x225: {  	v3 =	vadd.f32 v4, v3;
	[tilespmem:s3+$0x8490] =	vst v0;
	v0 =	vld [tilespmem:s3+$0x8580]  }
0x226: {  	v4 =	vadd.f32 v6, v5;
	[tilespmem:s3+$0x84A0] =	vst v2;
	v2 =	vld [tilespmem:s3+$0x14580]  }
0x227: {  	v5 =	vadd.f32 v61, v7;
	v1 =	vld [tilespmem:s3+$0x8590];
	[tilespmem:s3+$0x8500] =	vst v3  }
0x228: {  	[tilespmem:s3+$0x8510] =	vst v4;
	v3 =	vld [tilespmem:s3+$0x14590]  }
0x229: {  	s13 =	simm.s32 $0x800;
	s2 =	simm.s32 $0x0;
	[tilespmem:s3+$0x8520] =	vst v5;
	v5 =	vadd.f32 v63, v62;
	v4 =	vld [tilespmem:s3+$0x85A0]  }
.LBB2_17:
0x22a: {  	s8 =	sshra.s32 s13, $0x2;
	v6 =	vld [tilespmem:s3+$0x145A0]  }
0x22b: {  	s2 =	sadd.s32 $0x4, s2;
	v7 =	vld [tilespmem:s8+$0x85B0];
	[tilespmem:s3+$0x8530] =	vst v5;
	v0 =	vadd.f32 v2, v0  }
0x22c: {  	p0 =	slt.u32 s2, $0x7C;
	v2 =	vld [tilespmem:s8+$0x145B0]  }
0x22d: {  	v5 =	vld [tilespmem:s8+$0x8400];
	[tilespmem:s3+$0x8580] =	vst v0;
	v0 =	vadd.f32 v3, v1  }
0x22e: {  	v1 =	vld [tilespmem:s8+$0x14400]  }
0x22f: {  	v3 =	vld [tilespmem:s8+$0x8410];
	[tilespmem:s3+$0x8590] =	vst v0;
	v0 =	vadd.f32 v6, v4  }
0x230: {  	v4 =	vld [tilespmem:s8+$0x14410]  }
0x231: {  	v6 =	vld [tilespmem:s8+$0x8420];
	v2 =	vadd.f32 v2, v7;
	[tilespmem:s3+$0x85A0] =	vst v0;
	s3 =	smov.u32 s8  }
0x232: {  	v0 =	vld [tilespmem:s3+$0x14420]  }
0x233: {  	v1 =	vadd.f32 v1, v5;
	v5 =	vld [tilespmem:s3+$0x8430];
	[tilespmem:s3+$0x85B0] =	vst v2  }
0x234: {  	v2 =	vld [tilespmem:s3+$0x14430]  }
0x235: {  	[tilespmem:s3+$0x8400] =	vst v1;
	v1 =	vadd.f32 v4, v3;
	v3 =	vld [tilespmem:s3+$0x8480]  }
0x236: {  	v4 =	vld [tilespmem:s3+$0x14480]  }
0x237: {  	[tilespmem:s3+$0x8410] =	vst v1;
	v0 =	vadd.f32 v0, v6;
	v1 =	vld [tilespmem:s3+$0x8490]  }
0x238: {  	v6 =	vld [tilespmem:s3+$0x14490]  }
0x239: {  	[tilespmem:s3+$0x8420] =	vst v0;
	v0 =	vadd.f32 v2, v5;
	v2 =	vld [tilespmem:s3+$0x84A0]  }
0x23a: {  	v5 =	vld [tilespmem:s3+$0x144A0]  }
0x23b: {  	[tilespmem:s3+$0x8430] =	vst v0;
	v0 =	vadd.f32 v4, v3;
	v3 =	vld [tilespmem:s3+$0x84B0]  }
0x23c: {  	v4 =	vld [tilespmem:s3+$0x144B0]  }
0x23d: {  	[tilespmem:s3+$0x8480] =	vst v0;
	v0 =	vadd.f32 v6, v1;
	v1 =	vld [tilespmem:s3+$0x8500]  }
0x23e: {  	v6 =	vld [tilespmem:s3+$0x14500]  }
0x23f: {  	[tilespmem:s3+$0x8490] =	vst v0;
	v0 =	vadd.f32 v5, v2;
	v2 =	vld [tilespmem:s3+$0x8510]  }
0x240: {  	v5 =	vld [tilespmem:s3+$0x14510]  }
0x241: {  	[tilespmem:s3+$0x84A0] =	vst v0;
	v0 =	vadd.f32 v4, v3;
	v3 =	vld [tilespmem:s3+$0x8520]  }
0x242: {  	v4 =	vld [tilespmem:s3+$0x14520]  }
0x243: {  	[tilespmem:s3+$0x84B0] =	vst v0;
	v0 =	vadd.f32 v6, v1;
	v6 =	vld [tilespmem:s3+$0x8530]  }
0x244: {  	v7 =	vld [tilespmem:s3+$0x14530]  }
.Ltmp12:
0x245: {  	[tilespmem:s3+$0x8500] =	vst v0;
	v1 =	vadd.f32 v5, v2;
	v0 =	vld [tilespmem:s3+$0x8580];
	(pc) =	sbr.rel @p0 .LBB2_17-.Ltmp12, $4  }
0x246: {  	v2 =	vld [tilespmem:s3+$0x14580]  }
0x247: {  	[tilespmem:s3+$0x8510] =	vst v1;
	v4 =	vadd.f32 v4, v3;
	v1 =	vld [tilespmem:s3+$0x8590]  }
0x248: {  	v3 =	vld [tilespmem:s3+$0x14590]  }
0x249: {  	s13 =	sadd.s32 $0x800, s13;
	[tilespmem:s3+$0x8520] =	vst v4;
	v5 =	vadd.f32 v7, v6;
	v4 =	vld [tilespmem:s3+$0x85A0]  }
0x24a: {  	v6 =	vld [tilespmem:s3+$0x145A0];
	_ =	sdelay $0x2  }
0x24b: {  	v0 =	vadd.f32 v2, v0  }
0x24c: {  	[tilespmem:s3+$0x8530] =	vst v5;
	v1 =	vadd.f32 v3, v1  }
0x24d: {  	[tilespmem:s3+$0x8580] =	vst v0;
	v0 =	vadd.f32 v6, v4  }
0x24e: {  	[tilespmem:s3+$0x8590] =	vst v1  }
0x24f: {  	s2 =	sadd.s32 s0, s10;
	s31 =	simm.s32 $0x0;
	[tilespmem:s3+$0x85A0] =	vst v0  }
0x250: {  	[hbm4b:s2+s31] =	stream.linear.scatter [tilespmem:s21], [sflag:$0x2], $0x4000, $0x38;
	[tilespmem:$0x1C400] =	vst v63  }
0x251: {  	_ =	swait.ge [sflag:s22], $0x4000  }
0x252: {  	[sflag:s22] =	ssyncset.done $0x0  }
0x253: {  	s3 =	simm.s32 $0x0;
	[sflag:s22] =	ssyncadd.s32 $0xFFFFC000  }
0x254: {  	v0 =	vld [tilespmem:s3+$0x5B0]  }
0x255: {  	v1 =	vld [tilespmem:s3+$0x185B0]  }
0x256: {  	v2 =	vld [tilespmem:s3+$0x400]  }
0x257: {  	v3 =	vld [tilespmem:s3+$0x18400]  }
0x258: {  	v4 =	vld [tilespmem:s3+$0x410]  }
0x259: {  	v5 =	vld [tilespmem:s3+$0x18410]  }
0x25a: {  	v6 =	vld [tilespmem:s3+$0x420]  }
0x25b: {  	v7 =	vld [tilespmem:s3+$0x18420]  }
0x25c: {  	v8 =	vld [tilespmem:s3+$0x430]  }
0x25d: {  	v9 =	vld [tilespmem:s3+$0x18430]  }
0x25e: {  	v10 =	vld [tilespmem:s3+$0x480]  }
0x25f: {  	v11 =	vld [tilespmem:s3+$0x18480]  }
0x260: {  	v12 =	vld [tilespmem:s3+$0x490]  }
0x261: {  	v13 =	vld [tilespmem:s3+$0x18490]  }
0x262: {  	v14 =	vld [tilespmem:s3+$0x4A0]  }
0x263: {  	v15 =	vld [tilespmem:s3+$0x184A0]  }
0x264: {  	v16 =	vld [tilespmem:s3+$0x4B0]  }
0x265: {  	v61 =	vld [tilespmem:s3+$0x18520];
	v0 =	vadd.f32 v1, v0  }
0x266: {  	v1 =	vld [tilespmem:s3+$0x184B0];
	v2 =	vadd.f32 v3, v2  }
0x267: {  	v3 =	vld [tilespmem:s3+$0x500];
	[tilespmem:s3+$0x5B0] =	vst v0;
	v0 =	vadd.f32 v5, v4  }
0x268: {  	v4 =	vld [tilespmem:s3+$0x18500];
	[tilespmem:s3+$0x400] =	vst v2;
	v2 =	vadd.f32 v7, v6  }
0x269: {  	v5 =	vld [tilespmem:s3+$0x510];
	[tilespmem:s3+$0x410] =	vst v0;
	v0 =	vadd.f32 v9, v8  }
0x26a: {  	v6 =	vld [tilespmem:s3+$0x18510];
	[tilespmem:s3+$0x420] =	vst v2;
	v2 =	vadd.f32 v11, v10  }
0x26b: {  	v7 =	vld [tilespmem:s3+$0x520];
	v1 =	vadd.f32 v1, v16;
	[tilespmem:s3+$0x430] =	vst v0  }
0x26c: {  	v62 =	vld [tilespmem:s3+$0x530];
	v0 =	vadd.f32 v13, v12;
	[tilespmem:s3+$0x480] =	vst v2  }
0x26d: {  	v63 =	vld [tilespmem:s3+$0x18530];
	v2 =	vadd.f32 v15, v14;
	[tilespmem:s3+$0x4B0] =	vst v1  }
0x26e: {  	v3 =	vadd.f32 v4, v3;
	[tilespmem:s3+$0x490] =	vst v0;
	v0 =	vld [tilespmem:s3+$0x580]  }
0x26f: {  	v4 =	vadd.f32 v6, v5;
	[tilespmem:s3+$0x4A0] =	vst v2;
	v2 =	vld [tilespmem:s3+$0x18580]  }
0x270: {  	v5 =	vadd.f32 v61, v7;
	v1 =	vld [tilespmem:s3+$0x590];
	[tilespmem:s3+$0x500] =	vst v3  }
0x271: {  	[tilespmem:s3+$0x510] =	vst v4;
	v3 =	vld [tilespmem:s3+$0x18590]  }
0x272: {  	s13 =	simm.s32 $0x800;
	s2 =	simm.s32 $0x0;
	[tilespmem:s3+$0x520] =	vst v5;
	v5 =	vadd.f32 v63, v62;
	v4 =	vld [tilespmem:s3+$0x5A0]  }
.LBB2_19:
0x273: {  	s8 =	sshra.s32 s13, $0x2;
	v6 =	vld [tilespmem:s3+$0x185A0]  }
0x274: {  	s2 =	sadd.s32 $0x4, s2;
	v7 =	vld [tilespmem:s8+$0x5B0];
	[tilespmem:s3+$0x530] =	vst v5;
	v0 =	vadd.f32 v2, v0  }
0x275: {  	p0 =	slt.u32 s2, $0x7C;
	v2 =	vld [tilespmem:s8+$0x185B0]  }
0x276: {  	v5 =	vld [tilespmem:s8+$0x400];
	[tilespmem:s3+$0x580] =	vst v0;
	v0 =	vadd.f32 v3, v1  }
0x277: {  	v1 =	vld [tilespmem:s8+$0x18400]  }
0x278: {  	v3 =	vld [tilespmem:s8+$0x410];
	[tilespmem:s3+$0x590] =	vst v0;
	v0 =	vadd.f32 v6, v4  }
0x279: {  	v4 =	vld [tilespmem:s8+$0x18410]  }
0x27a: {  	v6 =	vld [tilespmem:s8+$0x420];
	v2 =	vadd.f32 v2, v7;
	[tilespmem:s3+$0x5A0] =	vst v0;
	s3 =	smov.u32 s8  }
0x27b: {  	v0 =	vld [tilespmem:s3+$0x18420]  }
0x27c: {  	v1 =	vadd.f32 v1, v5;
	v5 =	vld [tilespmem:s3+$0x430];
	[tilespmem:s3+$0x5B0] =	vst v2  }
0x27d: {  	v2 =	vld [tilespmem:s3+$0x18430]  }
0x27e: {  	[tilespmem:s3+$0x400] =	vst v1;
	v1 =	vadd.f32 v4, v3;
	v3 =	vld [tilespmem:s3+$0x480]  }
0x27f: {  	v4 =	vld [tilespmem:s3+$0x18480]  }
0x280: {  	[tilespmem:s3+$0x410] =	vst v1;
	v0 =	vadd.f32 v0, v6;
	v1 =	vld [tilespmem:s3+$0x490]  }
0x281: {  	v6 =	vld [tilespmem:s3+$0x18490]  }
0x282: {  	[tilespmem:s3+$0x420] =	vst v0;
	v0 =	vadd.f32 v2, v5;
	v2 =	vld [tilespmem:s3+$0x4A0]  }
0x283: {  	v5 =	vld [tilespmem:s3+$0x184A0]  }
0x284: {  	[tilespmem:s3+$0x430] =	vst v0;
	v0 =	vadd.f32 v4, v3;
	v3 =	vld [tilespmem:s3+$0x4B0]  }
0x285: {  	v4 =	vld [tilespmem:s3+$0x184B0]  }
0x286: {  	[tilespmem:s3+$0x480] =	vst v0;
	v0 =	vadd.f32 v6, v1;
	v1 =	vld [tilespmem:s3+$0x500]  }
0x287: {  	v6 =	vld [tilespmem:s3+$0x18500]  }
0x288: {  	[tilespmem:s3+$0x490] =	vst v0;
	v0 =	vadd.f32 v5, v2;
	v2 =	vld [tilespmem:s3+$0x510]  }
0x289: {  	v5 =	vld [tilespmem:s3+$0x18510]  }
0x28a: {  	[tilespmem:s3+$0x4A0] =	vst v0;
	v0 =	vadd.f32 v4, v3;
	v3 =	vld [tilespmem:s3+$0x520]  }
0x28b: {  	v4 =	vld [tilespmem:s3+$0x18520]  }
0x28c: {  	[tilespmem:s3+$0x4B0] =	vst v0;
	v0 =	vadd.f32 v6, v1;
	v6 =	vld [tilespmem:s3+$0x530]  }
0x28d: {  	v7 =	vld [tilespmem:s3+$0x18530]  }
.Ltmp13:
0x28e: {  	[tilespmem:s3+$0x500] =	vst v0;
	v1 =	vadd.f32 v5, v2;
	v0 =	vld [tilespmem:s3+$0x580];
	(pc) =	sbr.rel @p0 .LBB2_19-.Ltmp13, $4  }
0x28f: {  	v2 =	vld [tilespmem:s3+$0x18580]  }
0x290: {  	[tilespmem:s3+$0x510] =	vst v1;
	v4 =	vadd.f32 v4, v3;
	v1 =	vld [tilespmem:s3+$0x590]  }
0x291: {  	v3 =	vld [tilespmem:s3+$0x18590]  }
0x292: {  	s13 =	sadd.s32 $0x800, s13;
	[tilespmem:s3+$0x520] =	vst v4;
	v5 =	vadd.f32 v7, v6;
	v4 =	vld [tilespmem:s3+$0x5A0]  }
0x293: {  	v6 =	vld [tilespmem:s3+$0x185A0];
	_ =	sdelay $0x2  }
0x294: {  	v0 =	vadd.f32 v2, v0  }
0x295: {  	[tilespmem:s3+$0x530] =	vst v5;
	v1 =	vadd.f32 v3, v1  }
0x296: {  	[tilespmem:s3+$0x580] =	vst v0;
	v63 =	vadd.f32 v6, v4  }
0x297: {  	[tilespmem:s3+$0x590] =	vst v1  }
0x298: {  	s0 =	sadd.s32 s0, s11;
	[tilespmem:s3+$0x5A0] =	vst v63  }
0x299: {  	[hbm4b:s0+s4] =	stream.linear.scatter [tilespmem:s16], [sflag:$0x2], $0x4000, $0x38;
	[tilespmem:$0x1C400] =	vst v63  }
0x29a: {  	_ =	swait.ge [sflag:s23], $0x4000  }
0x29b: {  	[sflag:s23] =	ssyncset.done $0x0  }
0x29c: {  	[sflag:s23] =	ssyncadd.s32 $0xFFFFC000  }
0x29d: {  	_ =	swait.ge [sflag:s23], $0x4000  }
.Ltmp14:
0x29e: {  	[sflag:s23] =	ssyncset.done $0x0;
	(pc) =	sbr.rel .LBB2_21-.Ltmp14, $4  }
0x29f: {  	[sflag:s23] =	ssyncadd.s32 $0xFFFFC000  }
0x2a0: {  	_ =	swait.ge [sflag:s23], $0x4000  }
0x2a1: {  	[sflag:s23] =	ssyncset.done $0x0  }
0x2a2: {  	[sflag:s23] =	ssyncadd.s32 $0xFFFFC000  }
.LBB2_23:
0x2a3: {  	_ =	sfence.sel $0x180000  }
0x2a4: {  	[bflag:$0x0] =	sbarrier.arrive $0xFFFF  }
0x2a5: {  	_ =	strace $0x90000047  }
0x2a6: {  	s0 =	stileid.u32;
	[bflag:$0x2] =	sbarrier.arrive $0xFFFF  }
0x2a7: {  	p0 =	sne.s32 s0, $0x0;
	s0 =	rddreg [dreg:$0x3]  }
0x2a8: {  	s0 =	sadd.s32 @!p0 $0x100000, s0  }
0x2a9: {  	[sflag:s0] =	ssyncadd.tile.s32 @!p0 $0x1;
	_ =	shalt  }
.Lfunc_end2:
_tile_overlayer_lowered:
.L_overlay_start_2:
0x2aa: {  	(tag) =	ssettag $0x2  }
0x2ab: {  	s0 =	rddreg [dreg:$0x0];
	s2 =	stileid.u32  }
0x2ac: {  	s1 =	rddreg [dreg:$0x1];
	p0 =	sne.s32 s2, $0x0  }
0x2ad: {  	s3 =	rddreg [dreg:$0x2];
	[bflag:$0x3] =	sbarrier.arrive $0xFFFF;
	s2 =	simm.s32 @!p0 $0x1C03  }
0x2ae: {  	[timem:s3], [sflag:s2] =	dma.local @!p0 [hbm:s0], s1  }
0x2af: {  	s0 =	simm.s32 @!p0 $0x3  }
0x2b0: {  	_ =	swait.ge @!p0 [sflag:s0], s1  }
0x2b1: {  	s1 =	ssub.s32 @!p0 $0x0, s1;
	[sflag:s0] =	ssyncset.done @!p0 $0x0  }
0x2b2: {  	[sflag:s0] =	ssyncadd.s32 @!p0 s1  }
0x2b3: {  	[bflag:$0x3] =	sbarrier.arrive $0xFFFF  }
0x2b4: {  	_ =	shalt  }

// kernel: sparse-core-data-format-call.cloned.1.call-start
scs
called_computation_lowered:
.L_overlay_start_0:
0x0: {  	s2 =	sld [smem:$0x3FD9]  }
0x1: {  	s3 =	sld [smem:$0x3FFE];
	_ =	sdelay $0x1  }
0x2: {  	s1 =	srdreg.scid  }
0x3: {  	s0 =	sand.u32 $0x1, s1  }
0x4: {  	s18 =	sshll.u32 s0, $0xA;
	s2 =	sadd.s32 s3, s2  }
0x5: {  	s2 =	sadd.s32 s2, s18  }
0x6: {  	[smem:$0x3FC5] =	sst s2  }
0x7: {  	_ = 	snop  }
0x8: {  	s2 =	sld [smem:$0x3FD0];
	(tm) =	ssettm $0x1  }
0x9: {  	s19 =	sld [smem:$0x3FFB];
	_ =	sdelay $0x3  }
0xa: {  	_ =	strace s19  }
0xb: {  	s3 =	sld [smem:$0x3FFC];
	_ =	sdelay $0x3  }
0xc: {  	_ =	strace s3  }
0xd: {  	s3 =	sld [smem:$0x3FFD];
	_ =	sdelay $0x3  }
0xe: {  	_ =	strace s3  }
0xf: {  	_ =	strace $0x8FFFFFFF  }
0x10: {  	s20 =	sld [smem:$0x3FDB];
	_ =	sdelay $0x1  }
0x11: {  	s4 =	simm.s32 $_scs_section_size  }
0x12: {  	s5 =	simm.s32 $_size__tile_overlayer_lowered;
	s6 =	simm.s32 $_tile_overlayer_lowered  }
0x13: {  	s23 =	simm.s32 $0x1BFF;
	s22 =	sshll.u32 s6, $0x1;
	s3 =	sadd.s32 s4, s20  }
0x14: {  	s7 =	simm.s32 $0x0;
	s21 =	sshll.u32 s5, $0x1;
	s5 =	sadd.s32 s22, s3  }
0x15: {  	[timem:s7], [sflag:s23] =	dma.local [hbm:s5], s21  }
0x16: {  	_ =	swait.ge [sflag:s23], s21  }
0x17: {  	s4 =	ssub.s32 $0x0, s21;
	[sflag:s23] =	ssyncset.done $0x0  }
0x18: {  	[sflag:s23] =	ssyncadd.s32 s4;
	_ =	sdelay $0x1  }
0x19: {  	s24 =	simm.s32 $0x1B8B  }
0x1a: {  	_ =	swait.ge [sflag:s24], $0x1  }
0x1b: {  	[sflag:s24] =	ssyncset.done $0x0  }
0x1c: {  	s26 =	simm.s32 $0x1B8E;
	s25 =	sld [smem:$0x3FFE];
	[sflag:s24] =	ssyncadd.s32 $0xFFFFFFFF  }
0x1d: {  	s27 =	simm.s32 $execute0_lowered;
	[smem:$0x3FD2] =	sst s26  }
0x1e: {  	s5 =	sshll.u32 s27, $0x1;
	_ =	strace $0x80000049;
	[dreg:$0x1] =	wrdreg $0xFFFFFFFF  }
0x1f: {  	s28 =	simm.s32 $_size_execute0_lowered;
	s3 =	sadd.s32 s3, s5;
	[dreg:$0x0] =	wrdreg $0x0  }
0x20: {  	s5 =	sshll.u32 s28, $0x1;
	[dreg:$0x2] =	wrdreg s3  }
0x21: {  	[dreg:$0x3] =	wrdreg s5  }
0x22: {  	[dreg:$0x4] =	wrdreg $0xC0  }
0x23: {  	_ =	task [dreg:s7], $0x5FFFF  }
0x24: {  	[dreg:$0x1] =	wrdreg $0xFFFFFFFF  }
0x25: {  	[dreg:$0x0] =	wrdreg $0x60  }
0x26: {  	[dreg:$0x2] =	wrdreg s25  }
0x27: {  	[dreg:$0x3] =	wrdreg s2  }
0x28: {  	[dreg:$0x4] =	wrdreg $0x9  }
0x29: {  	_ =	task.clear_ibuf [dreg:s7], $0x5FFFF;
	_ =	strace $0x90000049  }
0x2a: {  	s29 =	simm.s32 $0x9;
	_ =	strace $0x8000004B  }
0x2b: {  	_ =	swait.ge [sflag:s29], $0x1  }
0x2c: {  	[sflag:s29] =	ssyncadd.s32 $0xFFFFFFFF  }
0x2d: {  	_ =	strace $0x9000004B  }
0x2e: {  	_ =	sfence  }
0x2f: {  	s30 =	sld [smem:$0x0];
	_ =	sdelay $0x2  }
0x30: {  	s31 =	sshll.u32 s1, $0xD;
	s1 =	sshrl.u32 s1, $0x2  }
0x31: {  	s3 =	sand.u32 $0x4000, s31;
	s1 =	sadd.s32 s1, s30  }
0x32: {  	s0 =	sor.u32 s3, s0;
	s1 =	sshll.u32 s1, $0x11  }
0x33: {  	s0 =	sor.u32 s1, s0  }
0x34: {  	s0 =	sadd.s32 $0x8F2B, s0  }
0x35: {  	[sflag:s0] =	ssyncadd.remote.s32 $0x1  }
0x36: {  	_ =	sfence.sel $0xFFFF  }
0x37: {  	[dreg:$0x0] =	wrdreg $0xFFFFFFFF;
	(pc) =	sbr.abs _section_cstart, $3  }
0x38: {  	[dreg:$0x1] =	wrdreg $0xFFFFFFFF  }
0x39: {  	_ =	task.clear_ibuf [dreg:s7], $0x2FFFF;
	_ =	strace $0x9FFFFFFF  }
0x3a: {  	(tm) =	ssettm $0x7FFFFFFF  }
0x3b: {  	_ =	shalt  }
tec
execute0_lowered:
.L_overlay_start_1:
0x0: {  	(tag) =	ssettag $0x1  }
0x1: {  	s0 =	srdreg.scid  }
0x2: {  	s7 =	rddreg [dreg:$0x0];
	s1 =	sshll.u32 s0, $0x4  }
0x3: {  	s3 =	rddreg [dreg:$0x1];
	s0 =	stileid.u32;
	s1 =	sand.u32 $0x10, s1  }
0x4: {  	s6 =	simm.s32 $0x1;
	s31 =	simm.s32 $0x2;
	s1 =	sor.u32 s0, s1  }
0x5: {  	s13 =	simm.s32 $0x0;
	s9 =	simm.s32 $0x1000;
	s2 =	sshll.u32 s1, $0x1  }
0x6: {  	s14 =	simm.s32 $0x0;
	s10 =	simm.s32 $0x0;
	s4 =	ssub.s32 $0x400, s2  }
0x7: {  	s12 =	simm.s32 $0x0;
	s1 =	rddreg [dreg:$0x2];
	s5 =	sand.u32 $0x3E, s4  }
.Ltmp0:
0x8: {  	_ =	strace $0x8000004A;
	p0 =	sne.s32 s5, $0x0;
	(pc) =	sbr.rel .LBB1_1-.Ltmp0, $4  }
0x9: {  	s11 =	smov.u32 s2;
	s8 =	sshrl.u32 s4, $0x6;
	s6 =	simm.s32 @!p0 $0x0  }
0xa: {  	s4 =	sadd.s32 $0xC00, s7;
	s5 =	simm.s32 $0x1;
	s6 =	sadd.s32 s6, s8  }
0xb: {  	s7 =	sadd.s32 $0x2C00, s7;
	[sflag:s5] =	ssyncpa.u1 $0x0;
	s6 =	sshll.u32 s6, $0x2  }
0xc: {  	p0 =	por $0x0, $0x0;
	[sflag:s31] =	ssyncpa.u1 $0x0;
	s8 =	sor.u32 $0x1, s6  }
.LBB1_7:
0xd: {  	s15 =	sadd.s32 $0x80, s10  }
0xe: {  	s13 =	sadd.s32 $0x40, s11;
	s17 =	smov.u32 s11;
	p2 =	sgt.s32 s15, $0x1FF  }
0xf: {  	s17 =	smov.u32 @p2 s13  }
0x10: {  	s15 =	simm.s32 @p2 $0x0;
	p2 =	sgt.s32 s17, $0x3FF  }
0x11: {  	s17 =	smov.u32 @p2 s2;
	p2 =	sne.s32 s12, s8  }
.Ltmp1:
0x12: {  	p1 =	slt.u32 s12, $0x2;
	(pc) =	sbr.rel @!p2 .LBB1_8-.Ltmp1, $4  }
0x13: {  	s16 =	simm.s32 @!p1 $0x2  }
0x14: {  	s14 =	smov.u32 s11;
	p0 =	por !p0, !p0;
	_ =	swait.ge @!p1 [sflag:s16], $0x4000  }
0x15: {  	s13 =	smov.u32 s10;
	[sflag:s16] =	ssyncset.done @!p1 $0x0;
	s10 =	smov.u32 s15  }
0x16: {  	s12 =	sadd.s32 $0x1, s12;
	[sflag:s16] =	ssyncadd.s32 @!p1 $0xFFFFC000;
	s11 =	smov.u32 s17  }
.LBB1_1:
0x17: {  	p1 =	sge.u32 s12, s6  }
0x18: {  	s15 =	sxor.u32 @!p1 $0xFFFFFFFF, s12;
	s16 =	sshll.u32 @!p1 s11, $0xD  }
0x19: {  	s17 =	sshll.u32 @!p1 s10, $0x4;
	s19 =	simm.s32 @!p1 $0x40;
	s20 =	simm.s32 @!p1 $0x80  }
0x1a: {  	s15 =	sshll.u32 @!p1 s15, $0xE;
	s17 =	sand.u32 @!p1 $0x1FF0, s17;
	s18 =	sadd.s32 @!p1 s4, s16  }
0x1b: {  	s16 =	sadd.s32 @!p1 s16, s7;
	s15 =	sand.u32 @!p1 $0x4000, s15;
	s18 =	sadd.s32 @!p1 s17, s18  }
0x1c: {  	[tilespmem:s15], [sflag:$0x1] =	stream.strided.gather @!p1 [hbm4b:s18+s19], $0x2000, s20, s19, $0x38;
	[tilespmem:$0x10100] =	vst v63  }
0x1d: {  	s31 =	sadd.s32 $0xFFFFFFFF, s12;
	s16 =	sadd.s32 @!p1 s17, s16;
	s15 =	sor.u32 @!p1 $0x2000, s15  }
0x1e: {  	[tilespmem:s15], [sflag:$0x1] =	stream.strided.gather @!p1 [hbm4b:s16+s19], $0x2000, s20, s19, $0x38;
	[tilespmem:$0x10100] =	vst v63  }
0x1f: {  	p1 =	sge.u32 s31, s6  }
.Ltmp2:
0x20: {  	_ = 	snop;
	(pc) =	sbr.rel @p1 .LBB1_7-.Ltmp2, $1  }
0x21: {  	_ =	sdelay $0x3  }
0x22: {  	s15 =	simm.s32 $0x1;
	s17 =	sand.u32 $0x1, s12  }
0x23: {  	_ =	swait.ge [sflag:s5], $0x4000;
	s15 =	simm.s32 @!p0 $0x0;
	s17 =	smul.u32 $0x10200, s17  }
0x24: {  	p2 =	por $0x1, $0x1;
	[sflag:s5] =	ssyncset.done $0x0;
	s16 =	smul.u32 $0x10200, s15  }
0x25: {  	s18 =	sshll.u32 s15, $0x10;
	[sflag:s5] =	ssyncadd.s32 $0xFFFFC000;
	s30 =	sshrl.u32 s17, $0x2  }
0x26: {  	s31 =	sshrl.u32 s18, $0x2;
	s18 =	simm.s32 $0x0;
	s16 =	sshrl.u32 s16, $0x2  }
0x27: {  	s15 =	sor.u32 $0x8000, s30;
	s17 =	sadd.s32 $0x20, s31;
	s16 =	sor.u32 $0x8000, s16  }
.LBB1_3:
0x28: {  	s19 =	sshll.u32 s18, $0xD  }
0x29: {  	s19 =	sand.u32 $0x3FFFE000, s19  }
0x2a: {  	s21 =	sadd.s32 s19, s17  }
0x2b: {  	s31 =	smul.u32 $0x8100, s18;
	v3 =	vld [tilespmem:s21+$0x10]  }
0x2c: {  	v1 =	vld [tilespmem:s21+$0xFFFFFFF0]  }
0x2d: {  	s18 =	sshra.s32 s31, $0x2;
	v0 =	vld [tilespmem:s21+$0x0]  }
0x2e: {  	s18 =	sadd.s32 s18, s16;
	v2 =	vld [tilespmem:s21+$0xFFFFFFE0]  }
0x2f: {  	s19 =	sadd.s32 $0x0, s18  }
0x30: {  	p1 =	por p2, p2;
	s20 =	simm.s32 $0x4;
	s21 =	sadd.s32 $0x40, s21;
	[tilespmem:s19+$0x1830 ss:$0x81] =	vst.msk $0xffff, v3  }
.LBB1_4:
0x31: {  	v3 =	vld [tilespmem:s21+$0x10];
	p2 =	sne.s32 s20, $0x1FC;
	[tilespmem:s19+$0x810 ss:$0x81] =	vst.msk $0xffff, v1;
	s22 =	smov.u32 s20;
	s20 =	sadd.s32 $0x4, s20  }
.Ltmp3:
0x32: {  	v1 =	vld [tilespmem:s21+$0xFFFFFFF0];
	[tilespmem:s19+$0x1020 ss:$0x81] =	vst.msk $0xffff, v0;
	(pc) =	sbr.rel @p2 .LBB1_4-.Ltmp3, $4  }
0x33: {  	v0 =	vld [tilespmem:s21+$0x0];
	[tilespmem:s19+$0x0 ss:$0x81] =	vst.msk $0xffff, v2  }
0x34: {  	s19 =	sshra.s32 s22, $0x2;
	v2 =	vld [tilespmem:s21+$0xFFFFFFE0]  }
0x35: {  	s19 =	sadd.s32 s19, s18  }
0x36: {  	s21 =	sadd.s32 $0x40, s21;
	[tilespmem:s19+$0x1830 ss:$0x81] =	vst.msk $0xffff, v3  }
.Ltmp4:
0x37: {  	(pc) =	sbr.rel @p1 .LBB1_3-.Ltmp4, $4  }
0x38: {  	_ = 	snop  }
0x39: {  	[tilespmem:s19+$0x810 ss:$0x81] =	vst.msk $0xffff, v1  }
0x3a: {  	[tilespmem:s19+$0x1020 ss:$0x81] =	vst.msk $0xffff, v0  }
0x3b: {  	s18 =	simm.s32 $0x1;
	p2 =	por $0x0, $0x0;
	[tilespmem:s19+$0x0 ss:$0x81] =	vst.msk $0xffff, v2  }
.Ltmp5:
0x3c: {  	s16 =	sand.u32 $0xF80, s13;
	s14 =	sshll.u32 s14, $0xC;
	(pc) =	sbr.rel .LBB1_7-.Ltmp5, $4  }
0x3d: {  	s17 =	sshrl.u32 s13, $0x3;
	s31 =	sand.u32 $0x7, s13;
	s14 =	sadd.s32 s3, s14  }
0x3e: {  	s17 =	sand.u32 $0xF, s17;
	s13 =	sshll.u32 s31, $0x12;
	s14 =	sadd.s32 s16, s14  }
0x3f: {  	s13 =	sor.u32 $0x400, s13;
	s14 =	sadd.s32 s17, s14  }
0x40: {  	[hbm4b:s14+s13] =	stream.strided.scatter [tilespmem:s15], [sflag:$0x2], $0x4000, s9, s13, $0x20;
	[tilespmem:$0x10100] =	vst v63  }
.LBB1_8:
0x41: {  	_ =	sfence.sel $0x180000  }
0x42: {  	s2 =	simm.s32 $0x1;
	[bflag:$0x0] =	sbarrier.arrive $0xFFFF  }
0x43: {  	s31 =	simm.s32 $0x2;
	[sflag:s2] =	ssyncpa.u1 $0x1  }
0x44: {  	[sflag:s31] =	ssyncpa.u1 $0x1  }
0x45: {  	p0 =	sne.s32 s0, $0x0;
	_ =	strace $0x9000004A  }
0x46: {  	s0 =	sadd.s32 @!p0 $0x100000, s1;
	[bflag:$0x2] =	sbarrier.arrive $0xFFFF  }
0x47: {  	[sflag:s0] =	ssyncadd.tile.s32 @!p0 $0x1;
	_ =	shalt  }
.Lfunc_end1:
_tile_overlayer_lowered:
.L_overlay_start_2:
0x48: {  	(tag) =	ssettag $0x2  }
0x49: {  	s0 =	rddreg [dreg:$0x0];
	s2 =	stileid.u32  }
0x4a: {  	s1 =	rddreg [dreg:$0x1];
	p0 =	sne.s32 s2, $0x0  }
0x4b: {  	s3 =	rddreg [dreg:$0x2];
	[bflag:$0x3] =	sbarrier.arrive $0xFFFF;
	s2 =	simm.s32 @!p0 $0x1C01  }
0x4c: {  	[timem:s3], [sflag:s2] =	dma.local @!p0 [hbm:s0], s1  }
0x4d: {  	s0 =	simm.s32 @!p0 $0x1  }
0x4e: {  	_ =	swait.ge @!p0 [sflag:s0], s1  }
0x4f: {  	s1 =	ssub.s32 @!p0 $0x0, s1;
	[sflag:s0] =	ssyncset.done @!p0 $0x0  }
0x50: {  	[sflag:s0] =	ssyncadd.s32 @!p0 s1  }
0x51: {  	[bflag:$0x3] =	sbarrier.arrive $0xFFFF  }
0x52: {  	_ =	shalt  }

</sc_bundles>
